<compile_context>
chip_gen: v7x
topology: tpu7x:2x2x1
jax: 0.10.2.dev20260603
libtpu: 0.0.44.dev20260713+nightly
codegen_flags: <defaults>
</compile_context>

<pallas_src>
import functools

import jax
import jax.numpy as jnp
from jax import lax
from jax.experimental import pallas as pl
from jax.experimental.pallas import tpu as pltpu
from jax.experimental.pallas import tpu_sc as plsc

N_TOK = 16384
N_EMB = 8192
DIM = 256
TM = 256
COMMIT = 0.25

NC = 2
NS = 16
NW = NC * NS
BPW = N_TOK // NW
CH = 128


def _argmin_body(x_ref, wt_ref, idx_ref, b_ref):
    i = pl.program_id(0)

    @pl.when(i == 0)
    def _():
        wt = wt_ref[...]
        b_ref[...] = jnp.sum(wt * wt, axis=0, keepdims=True)

    x = x_ref[...]
    a = jnp.sum(x * x, axis=1, keepdims=True)
    m2 = jax.lax.dot_general(
        x + x, wt_ref[...], (((1,), (0,)), ((), ())),
        preferred_element_type=jnp.float32,
    )
    d = (a + b_ref[...]) - m2
    rowmin = jnp.min(d, axis=1, keepdims=True)
    ids = jax.lax.broadcasted_iota(jnp.int32, d.shape, 1)
    k = d.shape[1]
    idx = jnp.min(jnp.where(d == rowmin, ids, k), axis=1)
    idx_ref[...] = idx[:, None]


def _argmin_call(x, wt):
    n, dim = x.shape
    k = wt.shape[1]
    return pl.pallas_call(
        _argmin_body,
        grid=(n // TM,),
        in_specs=[
            pl.BlockSpec((TM, dim), lambda i: (i, 0)),
            pl.BlockSpec((dim, k), lambda i: (0, 0)),
        ],
        out_specs=pl.BlockSpec((TM, 1), lambda i: (i, 0)),
        out_shape=jax.ShapeDtypeStruct((n, 1), jnp.int32),
        scratch_shapes=[pltpu.VMEM((1, k), jnp.float32)],
    )(x, wt)


@functools.partial(
    pl.kernel,
    mesh=plsc.VectorSubcoreMesh(core_axis_name="c", subcore_axis_name="s"),
    out_type=[
        jax.ShapeDtypeStruct((N_TOK, DIM), jnp.float32),
        jax.ShapeDtypeStruct((NW, 16), jnp.float32),
    ],
    scratch_types=[
        pltpu.VMEM((CH,), jnp.int32),
        pltpu.VMEM((CH, DIM), jnp.float32),
        pltpu.VMEM((CH, DIM), jnp.float32),
        pltpu.VMEM((16,), jnp.float32),
        pltpu.SemaphoreType.DMA,
    ],
)
def _sc_phase2(w_hbm, x_hbm, idx_hbm, qst_hbm, loss_hbm,
               idx_v, rows_v, x_v, acc_v, sem):
    wid = lax.axis_index("s") * NC + lax.axis_index("c")
    base = wid * BPW
    acc_v[...] = jnp.zeros((16,), jnp.float32)

    def chunk(c, carry):
        cb = base + c * CH
        pltpu.sync_copy(idx_hbm.at[pl.ds(cb, CH)], idx_v)
        pltpu.async_copy(w_hbm.at[idx_v], rows_v, sem).wait()
        pltpu.sync_copy(x_hbm.at[pl.ds(cb, CH)], x_v)

        def tok(t, carry2):
            s = None
            for j in range(DIM // 16):
                sl = pl.ds(16 * j, 16)
                xv = x_v[t, sl]
                wv = rows_v[t, sl]
                dv = wv - xv
                rows_v[t, sl] = xv + dv
                sq = dv * dv
                s = sq if s is None else s + sq
            acc_v[...] = acc_v[...] + s
            return carry2

        lax.fori_loop(0, CH, tok, 0)
        pltpu.sync_copy(rows_v, qst_hbm.at[pl.ds(cb, CH)])
        return carry

    lax.fori_loop(0, BPW // CH, chunk, 0)
    pltpu.sync_copy(acc_v, loss_hbm.at[wid])


def kernel(inputs, W):
    encoding_indices = _argmin_call(inputs, W.T)
    quantized_st, loss_parts = _sc_phase2(
        W, inputs, encoding_indices.reshape(N_TOK))
    mse = jnp.sum(loss_parts) / (N_TOK * DIM)
    vq_loss = mse + COMMIT * mse
    return (quantized_st, vq_loss, encoding_indices)

# --- scband reference (transcript-rebuilt; emitter-appended) ---
"""Pipeline reference for scband-vector-quantizer-6416681140724 (READ-ONLY COPY).

The authoritative reference and input builder live on the scoring server;
editing this copy changes nothing except your own understanding.
"""

import jax, jax.numpy as jnp
import numpy as np

NUM_EMBEDDINGS = 8192
EMBEDDING_DIM = 256
COMMITMENT_COST = 0.25
N_TOKENS = 16384


def setup_inputs(seed: int = 0) -> dict:
    key = jax.random.key(seed)
    k1, k2 = jax.random.split(key)
    inputs = jax.random.normal(k1, (N_TOKENS, EMBEDDING_DIM), dtype=jnp.float32)
    # nn.Embedding weight initialized uniform(-1/K, 1/K)
    W = jax.random.uniform(
        k2,
        (NUM_EMBEDDINGS, EMBEDDING_DIM),
        minval=-1.0 / NUM_EMBEDDINGS,
        maxval=1.0 / NUM_EMBEDDINGS,
        dtype=jnp.float32,
    )
    return {"inputs": inputs, "W": W}


def reference(inputs, W):
    # distances[i, j] = ||inputs_i||^2 + ||W_j||^2 - 2 <inputs_i, W_j>
    distances = (
        jnp.sum(inputs ** 2, axis=1, keepdims=True)
        + jnp.sum(W ** 2, axis=1)
        - 2.0 * jnp.matmul(inputs, W.T)
    )
    encoding_indices = jnp.argmin(distances, axis=1)[:, None]  # [N, 1]
    quantized = jnp.take(W, encoding_indices[:, 0], axis=0)  # [N, D]
    q_loss = jnp.mean((quantized - jax.lax.stop_gradient(inputs)) ** 2)
    e_loss = jnp.mean((jax.lax.stop_gradient(quantized) - inputs) ** 2)
    vq_loss = q_loss + COMMITMENT_COST * e_loss
    # straight-through estimator
    quantized_st = inputs + jax.lax.stop_gradient(quantized - inputs)
    return (quantized_st, vq_loss, encoding_indices)

if __name__ == "__main__":
    import jax
    _d = setup_inputs()
    print(jax.jit(kernel)(*tuple(_d.values())))

</pallas_src>

<mosaic_0001>
#map = affine_map<(d0, d1) -> (0, 0)>
#map1 = affine_map<(d0, d1) -> (0)>
module attributes {stable_mosaic.version = 14 : i64} {
  func.func @_sc_phase2(%arg0: i32, %arg1: i32, %arg2: memref<8192x256xf32, #tpu.memory_space<hbm>>, %arg3: memref<16384x256xf32, #tpu.memory_space<hbm>>, %arg4: memref<16384xi32, #tpu.memory_space<hbm>>, %arg5: memref<16384x256xf32, #tpu.memory_space<hbm>>, %arg6: memref<32x16xf32, #tpu.memory_space<hbm>>, %arg7: memref<128xi32, #tpu.memory_space<vmem>>, %arg8: memref<128x256xf32, #tpu.memory_space<vmem>>, %arg9: memref<128x256xf32, #tpu.memory_space<vmem>>, %arg10: memref<16xf32, #tpu.memory_space<vmem>>, %arg11: memref<!tpu.dma_semaphore, #tpu.memory_space<semaphore_mem>>) attributes {dimension_semantics = [#tpu.dimension_semantics<core_parallel>, #tpu.dimension_semantics<subcore_parallel>], iteration_bounds = array<i64: 2, 16>, scalar_prefetch = 0 : i64, scratch_operands = 5 : i64, tpu.core_type = #tpu.core_type<sc_vector_subcore>, window_params = [{transform_indices = #map}, {transform_indices = #map}, {transform_indices = #map1}, {transform_indices = #map}, {transform_indices = #map}]} {
    %mul3A = arith.constant 2 : i32
    %mul3A_0 = arith.muli %arg1, %mul3A : i32
    %add3A = arith.addi %mul3A_0, %arg0 : i32
    %mul3A_1 = arith.constant 512 : i32
    %mul3A_2 = arith.muli %add3A, %mul3A_1 : i32
    %broadcast_in_dim3A = arith.constant 0.000000e+00 : f32
    %broadcast_in_dim3A_3 = vector.broadcast %broadcast_in_dim3A : f32 to vector<16xf32>
    %swap3A = arith.constant 0 : index
    %swap3A_4 = tpu.vector_load %arg10[%swap3A] {strides = array<i32>} : memref<16xf32, #tpu.memory_space<vmem>>, vector<16xf32>,
    %swap3A_5 = vector.shape_cast %swap3A_4 : vector<16xf32> to vector<16xf32>
    %swap3A_6 = vector.shape_cast %broadcast_in_dim3A_3 : vector<16xf32> to vector<16xf32>
    tpu.vector_store %arg10[%swap3A], %swap3A_6 {strides = array<i32>} : memref<16xf32, #tpu.memory_space<vmem>>, vector<16xf32>,
    %scan3A = arith.constant 0 : i32
    %scan3A_7 = arith.constant 0 : i32
    %scan3A_8 = arith.constant 4 : i32
    %scan3A_9 = arith.addi %scan3A_7, %scan3A_8 : i32
    %scan3A_10 = arith.constant 1 : i32
    scf.for %scan3A_12 = %scan3A_7 to %scan3A_9 step %scan3A_10  : i32 {
      %mul3A_13 = arith.constant 128 : i32
      %mul3A_14 = arith.muli %scan3A_12, %mul3A_13 : i32
      %add3A_15 = arith.addi %mul3A_2, %mul3A_14 : i32
      "tpu.region"() ({
        %run_scoped3A = tpu.sem_alloc : memref<!tpu.dma_semaphore, #tpu.memory_space<semaphore_mem>>
        %dma_start3A_26 = tpu.memref_slice %arg4[%add3A_15] : memref<16384xi32, #tpu.memory_space<hbm>> -> memref<128xi32, #tpu.memory_space<hbm>>
        %dma_start3A_27 = tpu.memref_slice %arg4[%add3A_15] : memref<16384xi32, #tpu.memory_space<hbm>> -> memref<128xi32, #tpu.memory_space<hbm>>
        tpu.enqueue_dma source(%dma_start3A_27 : memref<128xi32, #tpu.memory_space<hbm>>) target(%arg7 : memref<128xi32, #tpu.memory_space<vmem>>) target_semaphore(%run_scoped3A : memref<!tpu.dma_semaphore, #tpu.memory_space<semaphore_mem>>)
        %dma_wait3A_28 = tpu.memref_slice %arg4[%add3A_15] : memref<16384xi32, #tpu.memory_space<hbm>> -> memref<128xi32, #tpu.memory_space<hbm>>
        %dma_wait3A_29 = tpu.memref_slice %arg4[%add3A_15] : memref<16384xi32, #tpu.memory_space<hbm>> -> memref<128xi32, #tpu.memory_space<hbm>>
        tpu.wait_dma2 semaphore(%run_scoped3A : memref<!tpu.dma_semaphore, #tpu.memory_space<semaphore_mem>>) src(%dma_wait3A_29 : memref<128xi32, #tpu.memory_space<hbm>>) dst(%arg7 : memref<128xi32, #tpu.memory_space<vmem>>)
        tpu.yield
      }) : () -> ()
      %dma_start3A = arith.constant 0 : i32
      %dma_start3A_16 = arith.constant 0 : i32
      %dma_start3A_17 = tpu.memref_slice %arg2[%dma_start3A, %dma_start3A_16] : memref<8192x256xf32, #tpu.memory_space<hbm>> -> memref<8192x256xf32, #tpu.memory_space<hbm>>
      tpu.enqueue_indirect_dma source(%dma_start3A_17 : memref<8192x256xf32, #tpu.memory_space<hbm>>) target(%arg8 : memref<128x256xf32, #tpu.memory_space<vmem>>) offsets(%arg7 : memref<128xi32, #tpu.memory_space<vmem>>) semaphore(%arg11 : memref<!tpu.dma_semaphore, #tpu.memory_space<semaphore_mem>>)
      %dma_wait3A = arith.constant 0 : i32
      %dma_wait3A_18 = arith.constant 0 : i32
      %dma_wait3A_19 = tpu.memref_slice %arg2[%dma_wait3A, %dma_wait3A_18] : memref<8192x256xf32, #tpu.memory_space<hbm>> -> memref<8192x256xf32, #tpu.memory_space<hbm>>
      tpu.wait_indirect_dma semaphore(%arg11 : memref<!tpu.dma_semaphore, #tpu.memory_space<semaphore_mem>>) src(%dma_wait3A_19 : memref<8192x256xf32, #tpu.memory_space<hbm>>) dst(%arg8 : memref<128x256xf32, #tpu.memory_space<vmem>>)
      "tpu.region"() ({
        %run_scoped3A = tpu.sem_alloc : memref<!tpu.dma_semaphore, #tpu.memory_space<semaphore_mem>>
        %dma_start3A_26 = arith.constant 0 : i32
        %dma_start3A_27 = tpu.memref_slice %arg3[%add3A_15, %dma_start3A_26] : memref<16384x256xf32, #tpu.memory_space<hbm>> -> memref<128x256xf32, #tpu.memory_space<hbm>>
        %dma_start3A_28 = arith.constant 0 : i32
        %dma_start3A_29 = tpu.memref_slice %arg3[%add3A_15, %dma_start3A_28] : memref<16384x256xf32, #tpu.memory_space<hbm>> -> memref<128x256xf32, #tpu.memory_space<hbm>>
        tpu.enqueue_dma source(%dma_start3A_29 : memref<128x256xf32, #tpu.memory_space<hbm>>) target(%arg9 : memref<128x256xf32, #tpu.memory_space<vmem>>) target_semaphore(%run_scoped3A : memref<!tpu.dma_semaphore, #tpu.memory_space<semaphore_mem>>)
        %dma_wait3A_30 = arith.constant 0 : i32
        %dma_wait3A_31 = tpu.memref_slice %arg3[%add3A_15, %dma_wait3A_30] : memref<16384x256xf32, #tpu.memory_space<hbm>> -> memref<128x256xf32, #tpu.memory_space<hbm>>
        %dma_wait3A_32 = arith.constant 0 : i32
        %dma_wait3A_33 = tpu.memref_slice %arg3[%add3A_15, %dma_wait3A_32] : memref<16384x256xf32, #tpu.memory_space<hbm>> -> memref<128x256xf32, #tpu.memory_space<hbm>>
        tpu.wait_dma2 semaphore(%run_scoped3A : memref<!tpu.dma_semaphore, #tpu.memory_space<semaphore_mem>>) src(%dma_wait3A_33 : memref<128x256xf32, #tpu.memory_space<hbm>>) dst(%arg9 : memref<128x256xf32, #tpu.memory_space<vmem>>)
        tpu.yield
      }) : () -> ()
      %scan3A_20 = arith.constant 0 : i32
      %scan3A_21 = arith.constant 0 : i32
      %scan3A_22 = arith.constant 128 : i32
      %scan3A_23 = arith.addi %scan3A_21, %scan3A_22 : i32
      %scan3A_24 = arith.constant 1 : i32
      scf.for %scan3A_26 = %scan3A_21 to %scan3A_23 step %scan3A_24  : i32 {
        %get3A = arith.index_cast %scan3A_26 : i32 to index
        %get3A_27 = arith.constant 0 : index
        %get3A_28 = tpu.vector_load %arg9[%get3A, %get3A_27] {strides = array<i32>} : memref<128x256xf32, #tpu.memory_space<vmem>>, vector<1x16xf32>,
        %get3A_29 = vector.shape_cast %get3A_28 : vector<1x16xf32> to vector<16xf32>
        %get3A_30 = arith.index_cast %scan3A_26 : i32 to index
        %get3A_31 = arith.constant 0 : index
        %get3A_32 = tpu.vector_load %arg8[%get3A_30, %get3A_31] {strides = array<i32>} : memref<128x256xf32, #tpu.memory_space<vmem>>, vector<1x16xf32>,
        %get3A_33 = vector.shape_cast %get3A_32 : vector<1x16xf32> to vector<16xf32>
        %sub3A = arith.subf %get3A_33, %get3A_29 : vector<16xf32>
        %add3A_34 = arith.addf %get3A_29, %sub3A : vector<16xf32>
        %swap3A_35 = arith.index_cast %scan3A_26 : i32 to index
        %swap3A_36 = arith.constant 0 : index
        %swap3A_37 = tpu.vector_load %arg8[%swap3A_35, %swap3A_36] {strides = array<i32>} : memref<128x256xf32, #tpu.memory_space<vmem>>, vector<1x16xf32>,
        %swap3A_38 = vector.shape_cast %swap3A_37 : vector<1x16xf32> to vector<16xf32>
        %swap3A_39 = vector.shape_cast %add3A_34 : vector<16xf32> to vector<1x16xf32>
        tpu.vector_store %arg8[%swap3A_35, %swap3A_36], %swap3A_39 {strides = array<i32>} : memref<128x256xf32, #tpu.memory_space<vmem>>, vector<1x16xf32>,
        %mul3A_40 = arith.mulf %sub3A, %sub3A : vector<16xf32>
        %get3A_41 = arith.index_cast %scan3A_26 : i32 to index
        %get3A_42 = arith.constant 16 : index
        %get3A_43 = tpu.vector_load %arg9[%get3A_41, %get3A_42] {strides = array<i32>} : memref<128x256xf32, #tpu.memory_space<vmem>>, vector<1x16xf32>,
        %get3A_44 = vector.shape_cast %get3A_43 : vector<1x16xf32> to vector<16xf32>
        %get3A_45 = arith.index_cast %scan3A_26 : i32 to index
        %get3A_46 = arith.constant 16 : index
        %get3A_47 = tpu.vector_load %arg8[%get3A_45, %get3A_46] {strides = array<i32>} : memref<128x256xf32, #tpu.memory_space<vmem>>, vector<1x16xf32>,
        %get3A_48 = vector.shape_cast %get3A_47 : vector<1x16xf32> to vector<16xf32>
        %sub3A_49 = arith.subf %get3A_48, %get3A_44 : vector<16xf32>
        %add3A_50 = arith.addf %get3A_44, %sub3A_49 : vector<16xf32>
        %swap3A_51 = arith.index_cast %scan3A_26 : i32 to index
        %swap3A_52 = arith.constant 16 : index
        %swap3A_53 = tpu.vector_load %arg8[%swap3A_51, %swap3A_52] {strides = array<i32>} : memref<128x256xf32, #tpu.memory_space<vmem>>, vector<1x16xf32>,
        %swap3A_54 = vector.shape_cast %swap3A_53 : vector<1x16xf32> to vector<16xf32>
        %swap3A_55 = vector.shape_cast %add3A_50 : vector<16xf32> to vector<1x16xf32>
        tpu.vector_store %arg8[%swap3A_51, %swap3A_52], %swap3A_55 {strides = array<i32>} : memref<128x256xf32, #tpu.memory_space<vmem>>, vector<1x16xf32>,
        %mul3A_56 = arith.mulf %sub3A_49, %sub3A_49 : vector<16xf32>
        %add3A_57 = arith.addf %mul3A_40, %mul3A_56 : vector<16xf32>
        %get3A_58 = arith.index_cast %scan3A_26 : i32 to index
        %get3A_59 = arith.constant 32 : index
        %get3A_60 = tpu.vector_load %arg9[%get3A_58, %get3A_59] {strides = array<i32>} : memref<128x256xf32, #tpu.memory_space<vmem>>, vector<1x16xf32>,
        %get3A_61 = vector.shape_cast %get3A_60 : vector<1x16xf32> to vector<16xf32>
        %get3A_62 = arith.index_cast %scan3A_26 : i32 to index
        %get3A_63 = arith.constant 32 : index
        %get3A_64 = tpu.vector_load %arg8[%get3A_62, %get3A_63] {strides = array<i32>} : memref<128x256xf32, #tpu.memory_space<vmem>>, vector<1x16xf32>,
        %get3A_65 = vector.shape_cast %get3A_64 : vector<1x16xf32> to vector<16xf32>
        %sub3A_66 = arith.subf %get3A_65, %get3A_61 : vector<16xf32>
        %add3A_67 = arith.addf %get3A_61, %sub3A_66 : vector<16xf32>
        %swap3A_68 = arith.index_cast %scan3A_26 : i32 to index
        %swap3A_69 = arith.constant 32 : index
        %swap3A_70 = tpu.vector_load %arg8[%swap3A_68, %swap3A_69] {strides = array<i32>} : memref<128x256xf32, #tpu.memory_space<vmem>>, vector<1x16xf32>,
        %swap3A_71 = vector.shape_cast %swap3A_70 : vector<1x16xf32> to vector<16xf32>
        %swap3A_72 = vector.shape_cast %add3A_67 : vector<16xf32> to vector<1x16xf32>
        tpu.vector_store %arg8[%swap3A_68, %swap3A_69], %swap3A_72 {strides = array<i32>} : memref<128x256xf32, #tpu.memory_space<vmem>>, vector<1x16xf32>,
        %mul3A_73 = arith.mulf %sub3A_66, %sub3A_66 : vector<16xf32>
        %add3A_74 = arith.addf %add3A_57, %mul3A_73 : vector<16xf32>
        %get3A_75 = arith.index_cast %scan3A_26 : i32 to index
        %get3A_76 = arith.constant 48 : index
        %get3A_77 = tpu.vector_load %arg9[%get3A_75, %get3A_76] {strides = array<i32>} : memref<128x256xf32, #tpu.memory_space<vmem>>, vector<1x16xf32>,
        %get3A_78 = vector.shape_cast %get3A_77 : vector<1x16xf32> to vector<16xf32>
        %get3A_79 = arith.index_cast %scan3A_26 : i32 to index
        %get3A_80 = arith.constant 48 : index
        %get3A_81 = tpu.vector_load %arg8[%get3A_79, %get3A_80] {strides = array<i32>} : memref<128x256xf32, #tpu.memory_space<vmem>>, vector<1x16xf32>,
        %get3A_82 = vector.shape_cast %get3A_81 : vector<1x16xf32> to vector<16xf32>
        %sub3A_83 = arith.subf %get3A_82, %get3A_78 : vector<16xf32>
        %add3A_84 = arith.addf %get3A_78, %sub3A_83 : vector<16xf32>
        %swap3A_85 = arith.index_cast %scan3A_26 : i32 to index
        %swap3A_86 = arith.constant 48 : index
        %swap3A_87 = tpu.vector_load %arg8[%swap3A_85, %swap3A_86] {strides = array<i32>} : memref<128x256xf32, #tpu.memory_space<vmem>>, vector<1x16xf32>,
        %swap3A_88 = vector.shape_cast %swap3A_87 : vector<1x16xf32> to vector<16xf32>
        %swap3A_89 = vector.shape_cast %add3A_84 : vector<16xf32> to vector<1x16xf32>
        tpu.vector_store %arg8[%swap3A_85, %swap3A_86], %swap3A_89 {strides = array<i32>} : memref<128x256xf32, #tpu.memory_space<vmem>>, vector<1x16xf32>,
        %mul3A_90 = arith.mulf %sub3A_83, %sub3A_83 : vector<16xf32>
        %add3A_91 = arith.addf %add3A_74, %mul3A_90 : vector<16xf32>
        %get3A_92 = arith.index_cast %scan3A_26 : i32 to index
        %get3A_93 = arith.constant 64 : index
        %get3A_94 = tpu.vector_load %arg9[%get3A_92, %get3A_93] {strides = array<i32>} : memref<128x256xf32, #tpu.memory_space<vmem>>, vector<1x16xf32>,
        %get3A_95 = vector.shape_cast %get3A_94 : vector<1x16xf32> to vector<16xf32>
        %get3A_96 = arith.index_cast %scan3A_26 : i32 to index
        %get3A_97 = arith.constant 64 : index
        %get3A_98 = tpu.vector_load %arg8[%get3A_96, %get3A_97] {strides = array<i32>} : memref<128x256xf32, #tpu.memory_space<vmem>>, vector<1x16xf32>,
        %get3A_99 = vector.shape_cast %get3A_98 : vector<1x16xf32> to vector<16xf32>
        %sub3A_100 = arith.subf %get3A_99, %get3A_95 : vector<16xf32>
        %add3A_101 = arith.addf %get3A_95, %sub3A_100 : vector<16xf32>
        %swap3A_102 = arith.index_cast %scan3A_26 : i32 to index
        %swap3A_103 = arith.constant 64 : index
        %swap3A_104 = tpu.vector_load %arg8[%swap3A_102, %swap3A_103] {strides = array<i32>} : memref<128x256xf32, #tpu.memory_space<vmem>>, vector<1x16xf32>,
        %swap3A_105 = vector.shape_cast %swap3A_104 : vector<1x16xf32> to vector<16xf32>
        %swap3A_106 = vector.shape_cast %add3A_101 : vector<16xf32> to vector<1x16xf32>
        tpu.vector_store %arg8[%swap3A_102, %swap3A_103], %swap3A_106 {strides = array<i32>} : memref<128x256xf32, #tpu.memory_space<vmem>>, vector<1x16xf32>,
        %mul3A_107 = arith.mulf %sub3A_100, %sub3A_100 : vector<16xf32>
        %add3A_108 = arith.addf %add3A_91, %mul3A_107 : vector<16xf32>
        %get3A_109 = arith.index_cast %scan3A_26 : i32 to index
        %get3A_110 = arith.constant 80 : index
        %get3A_111 = tpu.vector_load %arg9[%get3A_109, %get3A_110] {strides = array<i32>} : memref<128x256xf32, #tpu.memory_space<vmem>>, vector<1x16xf32>,
        %get3A_112 = vector.shape_cast %get3A_111 : vector<1x16xf32> to vector<16xf32>
        %get3A_113 = arith.index_cast %scan3A_26 : i32 to index
        %get3A_114 = arith.constant 80 : index
        %get3A_115 = tpu.vector_load %arg8[%get3A_113, %get3A_114] {strides = array<i32>} : memref<128x256xf32, #tpu.memory_space<vmem>>, vector<1x16xf32>,
        %get3A_116 = vector.shape_cast %get3A_115 : vector<1x16xf32> to vector<16xf32>
        %sub3A_117 = arith.subf %get3A_116, %get3A_112 : vector<16xf32>
        %add3A_118 = arith.addf %get3A_112, %sub3A_117 : vector<16xf32>
        %swap3A_119 = arith.index_cast %scan3A_26 : i32 to index
        %swap3A_120 = arith.constant 80 : index
        %swap3A_121 = tpu.vector_load %arg8[%swap3A_119, %swap3A_120] {strides = array<i32>} : memref<128x256xf32, #tpu.memory_space<vmem>>, vector<1x16xf32>,
        %swap3A_122 = vector.shape_cast %swap3A_121 : vector<1x16xf32> to vector<16xf32>
        %swap3A_123 = vector.shape_cast %add3A_118 : vector<16xf32> to vector<1x16xf32>
        tpu.vector_store %arg8[%swap3A_119, %swap3A_120], %swap3A_123 {strides = array<i32>} : memref<128x256xf32, #tpu.memory_space<vmem>>, vector<1x16xf32>,
        %mul3A_124 = arith.mulf %sub3A_117, %sub3A_117 : vector<16xf32>
        %add3A_125 = arith.addf %add3A_108, %mul3A_124 : vector<16xf32>
        %get3A_126 = arith.index_cast %scan3A_26 : i32 to index
        %get3A_127 = arith.constant 96 : index
        %get3A_128 = tpu.vector_load %arg9[%get3A_126, %get3A_127] {strides = array<i32>} : memref<128x256xf32, #tpu.memory_space<vmem>>, vector<1x16xf32>,
        %get3A_129 = vector.shape_cast %get3A_128 : vector<1x16xf32> to vector<16xf32>
        %get3A_130 = arith.index_cast %scan3A_26 : i32 to index
        %get3A_131 = arith.constant 96 : index
        %get3A_132 = tpu.vector_load %arg8[%get3A_130, %get3A_131] {strides = array<i32>} : memref<128x256xf32, #tpu.memory_space<vmem>>, vector<1x16xf32>,
        %get3A_133 = vector.shape_cast %get3A_132 : vector<1x16xf32> to vector<16xf32>
        %sub3A_134 = arith.subf %get3A_133, %get3A_129 : vector<16xf32>
        %add3A_135 = arith.addf %get3A_129, %sub3A_134 : vector<16xf32>
        %swap3A_136 = arith.index_cast %scan3A_26 : i32 to index
        %swap3A_137 = arith.constant 96 : index
        %swap3A_138 = tpu.vector_load %arg8[%swap3A_136, %swap3A_137] {strides = array<i32>} : memref<128x256xf32, #tpu.memory_space<vmem>>, vector<1x16xf32>,
        %swap3A_139 = vector.shape_cast %swap3A_138 : vector<1x16xf32> to vector<16xf32>
        %swap3A_140 = vector.shape_cast %add3A_135 : vector<16xf32> to vector<1x16xf32>
        tpu.vector_store %arg8[%swap3A_136, %swap3A_137], %swap3A_140 {strides = array<i32>} : memref<128x256xf32, #tpu.memory_space<vmem>>, vector<1x16xf32>,
        %mul3A_141 = arith.mulf %sub3A_134, %sub3A_134 : vector<16xf32>
        %add3A_142 = arith.addf %add3A_125, %mul3A_141 : vector<16xf32>
        %get3A_143 = arith.index_cast %scan3A_26 : i32 to index
        %get3A_144 = arith.constant 112 : index
        %get3A_145 = tpu.vector_load %arg9[%get3A_143, %get3A_144] {strides = array<i32>} : memref<128x256xf32, #tpu.memory_space<vmem>>, vector<1x16xf32>,
        %get3A_146 = vector.shape_cast %get3A_145 : vector<1x16xf32> to vector<16xf32>
        %get3A_147 = arith.index_cast %scan3A_26 : i32 to index
        %get3A_148 = arith.constant 112 : index
        %get3A_149 = tpu.vector_load %arg8[%get3A_147, %get3A_148] {strides = array<i32>} : memref<128x256xf32, #tpu.memory_space<vmem>>, vector<1x16xf32>,
        %get3A_150 = vector.shape_cast %get3A_149 : vector<1x16xf32> to vector<16xf32>
        %sub3A_151 = arith.subf %get3A_150, %get3A_146 : vector<16xf32>
        %add3A_152 = arith.addf %get3A_146, %sub3A_151 : vector<16xf32>
        %swap3A_153 = arith.index_cast %scan3A_26 : i32 to index
        %swap3A_154 = arith.constant 112 : index
        %swap3A_155 = tpu.vector_load %arg8[%swap3A_153, %swap3A_154] {strides = array<i32>} : memref<128x256xf32, #tpu.memory_space<vmem>>, vector<1x16xf32>,
        %swap3A_156 = vector.shape_cast %swap3A_155 : vector<1x16xf32> to vector<16xf32>
        %swap3A_157 = vector.shape_cast %add3A_152 : vector<16xf32> to vector<1x16xf32>
        tpu.vector_store %arg8[%swap3A_153, %swap3A_154], %swap3A_157 {strides = array<i32>} : memref<128x256xf32, #tpu.memory_space<vmem>>, vector<1x16xf32>,
        %mul3A_158 = arith.mulf %sub3A_151, %sub3A_151 : vector<16xf32>
        %add3A_159 = arith.addf %add3A_142, %mul3A_158 : vector<16xf32>
        %get3A_160 = arith.index_cast %scan3A_26 : i32 to index
        %get3A_161 = arith.constant 128 : index
        %get3A_162 = tpu.vector_load %arg9[%get3A_160, %get3A_161] {strides = array<i32>} : memref<128x256xf32, #tpu.memory_space<vmem>>, vector<1x16xf32>,
        %get3A_163 = vector.shape_cast %get3A_162 : vector<1x16xf32> to vector<16xf32>
        %get3A_164 = arith.index_cast %scan3A_26 : i32 to index
        %get3A_165 = arith.constant 128 : index
        %get3A_166 = tpu.vector_load %arg8[%get3A_164, %get3A_165] {strides = array<i32>} : memref<128x256xf32, #tpu.memory_space<vmem>>, vector<1x16xf32>,
        %get3A_167 = vector.shape_cast %get3A_166 : vector<1x16xf32> to vector<16xf32>
        %sub3A_168 = arith.subf %get3A_167, %get3A_163 : vector<16xf32>
        %add3A_169 = arith.addf %get3A_163, %sub3A_168 : vector<16xf32>
        %swap3A_170 = arith.index_cast %scan3A_26 : i32 to index
        %swap3A_171 = arith.constant 128 : index
        %swap3A_172 = tpu.vector_load %arg8[%swap3A_170, %swap3A_171] {strides = array<i32>} : memref<128x256xf32, #tpu.memory_space<vmem>>, vector<1x16xf32>,
        %swap3A_173 = vector.shape_cast %swap3A_172 : vector<1x16xf32> to vector<16xf32>
        %swap3A_174 = vector.shape_cast %add3A_169 : vector<16xf32> to vector<1x16xf32>
        tpu.vector_store %arg8[%swap3A_170, %swap3A_171], %swap3A_174 {strides = array<i32>} : memref<128x256xf32, #tpu.memory_space<vmem>>, vector<1x16xf32>,
        %mul3A_175 = arith.mulf %sub3A_168, %sub3A_168 : vector<16xf32>
        %add3A_176 = arith.addf %add3A_159, %mul3A_175 : vector<16xf32>
        %get3A_177 = arith.index_cast %scan3A_26 : i32 to index
        %get3A_178 = arith.constant 144 : index
        %get3A_179 = tpu.vector_load %arg9[%get3A_177, %get3A_178] {strides = array<i32>} : memref<128x256xf32, #tpu.memory_space<vmem>>, vector<1x16xf32>,
        %get3A_180 = vector.shape_cast %get3A_179 : vector<1x16xf32> to vector<16xf32>
        %get3A_181 = arith.index_cast %scan3A_26 : i32 to index
        %get3A_182 = arith.constant 144 : index
        %get3A_183 = tpu.vector_load %arg8[%get3A_181, %get3A_182] {strides = array<i32>} : memref<128x256xf32, #tpu.memory_space<vmem>>, vector<1x16xf32>,
        %get3A_184 = vector.shape_cast %get3A_183 : vector<1x16xf32> to vector<16xf32>
        %sub3A_185 = arith.subf %get3A_184, %get3A_180 : vector<16xf32>
        %add3A_186 = arith.addf %get3A_180, %sub3A_185 : vector<16xf32>
        %swap3A_187 = arith.index_cast %scan3A_26 : i32 to index
        %swap3A_188 = arith.constant 144 : index
        %swap3A_189 = tpu.vector_load %arg8[%swap3A_187, %swap3A_188] {strides = array<i32>} : memref<128x256xf32, #tpu.memory_space<vmem>>, vector<1x16xf32>,
        %swap3A_190 = vector.shape_cast %swap3A_189 : vector<1x16xf32> to vector<16xf32>
        %swap3A_191 = vector.shape_cast %add3A_186 : vector<16xf32> to vector<1x16xf32>
        tpu.vector_store %arg8[%swap3A_187, %swap3A_188], %swap3A_191 {strides = array<i32>} : memref<128x256xf32, #tpu.memory_space<vmem>>, vector<1x16xf32>,
        %mul3A_192 = arith.mulf %sub3A_185, %sub3A_185 : vector<16xf32>
        %add3A_193 = arith.addf %add3A_176, %mul3A_192 : vector<16xf32>
        %get3A_194 = arith.index_cast %scan3A_26 : i32 to index
        %get3A_195 = arith.constant 160 : index
        %get3A_196 = tpu.vector_load %arg9[%get3A_194, %get3A_195] {strides = array<i32>} : memref<128x256xf32, #tpu.memory_space<vmem>>, vector<1x16xf32>,
        %get3A_197 = vector.shape_cast %get3A_196 : vector<1x16xf32> to vector<16xf32>
        %get3A_198 = arith.index_cast %scan3A_26 : i32 to index
        %get3A_199 = arith.constant 160 : index
        %get3A_200 = tpu.vector_load %arg8[%get3A_198, %get3A_199] {strides = array<i32>} : memref<128x256xf32, #tpu.memory_space<vmem>>, vector<1x16xf32>,
        %get3A_201 = vector.shape_cast %get3A_200 : vector<1x16xf32> to vector<16xf32>
        %sub3A_202 = arith.subf %get3A_201, %get3A_197 : vector<16xf32>
        %add3A_203 = arith.addf %get3A_197, %sub3A_202 : vector<16xf32>
        %swap3A_204 = arith.index_cast %scan3A_26 : i32 to index
        %swap3A_205 = arith.constant 160 : index
        %swap3A_206 = tpu.vector_load %arg8[%swap3A_204, %swap3A_205] {strides = array<i32>} : memref<128x256xf32, #tpu.memory_space<vmem>>, vector<1x16xf32>,
        %swap3A_207 = vector.shape_cast %swap3A_206 : vector<1x16xf32> to vector<16xf32>
        %swap3A_208 = vector.shape_cast %add3A_203 : vector<16xf32> to vector<1x16xf32>
        tpu.vector_store %arg8[%swap3A_204, %swap3A_205], %swap3A_208 {strides = array<i32>} : memref<128x256xf32, #tpu.memory_space<vmem>>, vector<1x16xf32>,
        %mul3A_209 = arith.mulf %sub3A_202, %sub3A_202 : vector<16xf32>
        %add3A_210 = arith.addf %add3A_193, %mul3A_209 : vector<16xf32>
        %get3A_211 = arith.index_cast %scan3A_26 : i32 to index
        %get3A_212 = arith.constant 176 : index
        %get3A_213 = tpu.vector_load %arg9[%get3A_211, %get3A_212] {strides = array<i32>} : memref<128x256xf32, #tpu.memory_space<vmem>>, vector<1x16xf32>,
        %get3A_214 = vector.shape_cast %get3A_213 : vector<1x16xf32> to vector<16xf32>
        %get3A_215 = arith.index_cast %scan3A_26 : i32 to index
        %get3A_216 = arith.constant 176 : index
        %get3A_217 = tpu.vector_load %arg8[%get3A_215, %get3A_216] {strides = array<i32>} : memref<128x256xf32, #tpu.memory_space<vmem>>, vector<1x16xf32>,
        %get3A_218 = vector.shape_cast %get3A_217 : vector<1x16xf32> to vector<16xf32>
        %sub3A_219 = arith.subf %get3A_218, %get3A_214 : vector<16xf32>
        %add3A_220 = arith.addf %get3A_214, %sub3A_219 : vector<16xf32>
        %swap3A_221 = arith.index_cast %scan3A_26 : i32 to index
        %swap3A_222 = arith.constant 176 : index
        %swap3A_223 = tpu.vector_load %arg8[%swap3A_221, %swap3A_222] {strides = array<i32>} : memref<128x256xf32, #tpu.memory_space<vmem>>, vector<1x16xf32>,
        %swap3A_224 = vector.shape_cast %swap3A_223 : vector<1x16xf32> to vector<16xf32>
        %swap3A_225 = vector.shape_cast %add3A_220 : vector<16xf32> to vector<1x16xf32>
        tpu.vector_store %arg8[%swap3A_221, %swap3A_222], %swap3A_225 {strides = array<i32>} : memref<128x256xf32, #tpu.memory_space<vmem>>, vector<1x16xf32>,
        %mul3A_226 = arith.mulf %sub3A_219, %sub3A_219 : vector<16xf32>
        %add3A_227 = arith.addf %add3A_210, %mul3A_226 : vector<16xf32>
        %get3A_228 = arith.index_cast %scan3A_26 : i32 to index
        %get3A_229 = arith.constant 192 : index
        %get3A_230 = tpu.vector_load %arg9[%get3A_228, %get3A_229] {strides = array<i32>} : memref<128x256xf32, #tpu.memory_space<vmem>>, vector<1x16xf32>,
        %get3A_231 = vector.shape_cast %get3A_230 : vector<1x16xf32> to vector<16xf32>
        %get3A_232 = arith.index_cast %scan3A_26 : i32 to index
        %get3A_233 = arith.constant 192 : index
        %get3A_234 = tpu.vector_load %arg8[%get3A_232, %get3A_233] {strides = array<i32>} : memref<128x256xf32, #tpu.memory_space<vmem>>, vector<1x16xf32>,
        %get3A_235 = vector.shape_cast %get3A_234 : vector<1x16xf32> to vector<16xf32>
        %sub3A_236 = arith.subf %get3A_235, %get3A_231 : vector<16xf32>
        %add3A_237 = arith.addf %get3A_231, %sub3A_236 : vector<16xf32>
        %swap3A_238 = arith.index_cast %scan3A_26 : i32 to index
        %swap3A_239 = arith.constant 192 : index
        %swap3A_240 = tpu.vector_load %arg8[%swap3A_238, %swap3A_239] {strides = array<i32>} : memref<128x256xf32, #tpu.memory_space<vmem>>, vector<1x16xf32>,
        %swap3A_241 = vector.shape_cast %swap3A_240 : vector<1x16xf32> to vector<16xf32>
        %swap3A_242 = vector.shape_cast %add3A_237 : vector<16xf32> to vector<1x16xf32>
        tpu.vector_store %arg8[%swap3A_238, %swap3A_239], %swap3A_242 {strides = array<i32>} : memref<128x256xf32, #tpu.memory_space<vmem>>, vector<1x16xf32>,
        %mul3A_243 = arith.mulf %sub3A_236, %sub3A_236 : vector<16xf32>
        %add3A_244 = arith.addf %add3A_227, %mul3A_243 : vector<16xf32>
        %get3A_245 = arith.index_cast %scan3A_26 : i32 to index
        %get3A_246 = arith.constant 208 : index
        %get3A_247 = tpu.vector_load %arg9[%get3A_245, %get3A_246] {strides = array<i32>} : memref<128x256xf32, #tpu.memory_space<vmem>>, vector<1x16xf32>,
        %get3A_248 = vector.shape_cast %get3A_247 : vector<1x16xf32> to vector<16xf32>
        %get3A_249 = arith.index_cast %scan3A_26 : i32 to index
        %get3A_250 = arith.constant 208 : index
        %get3A_251 = tpu.vector_load %arg8[%get3A_249, %get3A_250] {strides = array<i32>} : memref<128x256xf32, #tpu.memory_space<vmem>>, vector<1x16xf32>,
        %get3A_252 = vector.shape_cast %get3A_251 : vector<1x16xf32> to vector<16xf32>
        %sub3A_253 = arith.subf %get3A_252, %get3A_248 : vector<16xf32>
        %add3A_254 = arith.addf %get3A_248, %sub3A_253 : vector<16xf32>
        %swap3A_255 = arith.index_cast %scan3A_26 : i32 to index
        %swap3A_256 = arith.constant 208 : index
        %swap3A_257 = tpu.vector_load %arg8[%swap3A_255, %swap3A_256] {strides = array<i32>} : memref<128x256xf32, #tpu.memory_space<vmem>>, vector<1x16xf32>,
        %swap3A_258 = vector.shape_cast %swap3A_257 : vector<1x16xf32> to vector<16xf32>
        %swap3A_259 = vector.shape_cast %add3A_254 : vector<16xf32> to vector<1x16xf32>
        tpu.vector_store %arg8[%swap3A_255, %swap3A_256], %swap3A_259 {strides = array<i32>} : memref<128x256xf32, #tpu.memory_space<vmem>>, vector<1x16xf32>,
        %mul3A_260 = arith.mulf %sub3A_253, %sub3A_253 : vector<16xf32>
        %add3A_261 = arith.addf %add3A_244, %mul3A_260 : vector<16xf32>
        %get3A_262 = arith.index_cast %scan3A_26 : i32 to index
        %get3A_263 = arith.constant 224 : index
        %get3A_264 = tpu.vector_load %arg9[%get3A_262, %get3A_263] {strides = array<i32>} : memref<128x256xf32, #tpu.memory_space<vmem>>, vector<1x16xf32>,
        %get3A_265 = vector.shape_cast %get3A_264 : vector<1x16xf32> to vector<16xf32>
        %get3A_266 = arith.index_cast %scan3A_26 : i32 to index
        %get3A_267 = arith.constant 224 : index
        %get3A_268 = tpu.vector_load %arg8[%get3A_266, %get3A_267] {strides = array<i32>} : memref<128x256xf32, #tpu.memory_space<vmem>>, vector<1x16xf32>,
        %get3A_269 = vector.shape_cast %get3A_268 : vector<1x16xf32> to vector<16xf32>
        %sub3A_270 = arith.subf %get3A_269, %get3A_265 : vector<16xf32>
        %add3A_271 = arith.addf %get3A_265, %sub3A_270 : vector<16xf32>
        %swap3A_272 = arith.index_cast %scan3A_26 : i32 to index
        %swap3A_273 = arith.constant 224 : index
        %swap3A_274 = tpu.vector_load %arg8[%swap3A_272, %swap3A_273] {strides = array<i32>} : memref<128x256xf32, #tpu.memory_space<vmem>>, vector<1x16xf32>,
        %swap3A_275 = vector.shape_cast %swap3A_274 : vector<1x16xf32> to vector<16xf32>
        %swap3A_276 = vector.shape_cast %add3A_271 : vector<16xf32> to vector<1x16xf32>
        tpu.vector_store %arg8[%swap3A_272, %swap3A_273], %swap3A_276 {strides = array<i32>} : memref<128x256xf32, #tpu.memory_space<vmem>>, vector<1x16xf32>,
        %mul3A_277 = arith.mulf %sub3A_270, %sub3A_270 : vector<16xf32>
        %add3A_278 = arith.addf %add3A_261, %mul3A_277 : vector<16xf32>
        %get3A_279 = arith.index_cast %scan3A_26 : i32 to index
        %get3A_280 = arith.constant 240 : index
        %get3A_281 = tpu.vector_load %arg9[%get3A_279, %get3A_280] {strides = array<i32>} : memref<128x256xf32, #tpu.memory_space<vmem>>, vector<1x16xf32>,
        %get3A_282 = vector.shape_cast %get3A_281 : vector<1x16xf32> to vector<16xf32>
        %get3A_283 = arith.index_cast %scan3A_26 : i32 to index
        %get3A_284 = arith.constant 240 : index
        %get3A_285 = tpu.vector_load %arg8[%get3A_283, %get3A_284] {strides = array<i32>} : memref<128x256xf32, #tpu.memory_space<vmem>>, vector<1x16xf32>,
        %get3A_286 = vector.shape_cast %get3A_285 : vector<1x16xf32> to vector<16xf32>
        %sub3A_287 = arith.subf %get3A_286, %get3A_282 : vector<16xf32>
        %add3A_288 = arith.addf %get3A_282, %sub3A_287 : vector<16xf32>
        %swap3A_289 = arith.index_cast %scan3A_26 : i32 to index
        %swap3A_290 = arith.constant 240 : index
        %swap3A_291 = tpu.vector_load %arg8[%swap3A_289, %swap3A_290] {strides = array<i32>} : memref<128x256xf32, #tpu.memory_space<vmem>>, vector<1x16xf32>,
        %swap3A_292 = vector.shape_cast %swap3A_291 : vector<1x16xf32> to vector<16xf32>
        %swap3A_293 = vector.shape_cast %add3A_288 : vector<16xf32> to vector<1x16xf32>
        tpu.vector_store %arg8[%swap3A_289, %swap3A_290], %swap3A_293 {strides = array<i32>} : memref<128x256xf32, #tpu.memory_space<vmem>>, vector<1x16xf32>,
        %mul3A_294 = arith.mulf %sub3A_287, %sub3A_287 : vector<16xf32>
        %add3A_295 = arith.addf %add3A_278, %mul3A_294 : vector<16xf32>
        %get3A_296 = arith.constant 0 : index
        %get3A_297 = tpu.vector_load %arg10[%get3A_296] {strides = array<i32>} : memref<16xf32, #tpu.memory_space<vmem>>, vector<16xf32>,
        %get3A_298 = vector.shape_cast %get3A_297 : vector<16xf32> to vector<16xf32>
        %add3A_299 = arith.addf %get3A_298, %add3A_295 : vector<16xf32>
        %swap3A_300 = arith.constant 0 : index
        %swap3A_301 = tpu.vector_load %arg10[%swap3A_300] {strides = array<i32>} : memref<16xf32, #tpu.memory_space<vmem>>, vector<16xf32>,
        %swap3A_302 = vector.shape_cast %swap3A_301 : vector<16xf32> to vector<16xf32>
        %swap3A_303 = vector.shape_cast %add3A_299 : vector<16xf32> to vector<16xf32>
        tpu.vector_store %arg10[%swap3A_300], %swap3A_303 {strides = array<i32>} : memref<16xf32, #tpu.memory_space<vmem>>, vector<16xf32>,
      }
      %scan3A_25 = arith.constant 128 : i32
      "tpu.region"() ({
        %run_scoped3A = tpu.sem_alloc : memref<!tpu.dma_semaphore, #tpu.memory_space<semaphore_mem>>
        %dma_start3A_26 = arith.constant 0 : i32
        %dma_start3A_27 = tpu.memref_slice %arg5[%add3A_15, %dma_start3A_26] : memref<16384x256xf32, #tpu.memory_space<hbm>> -> memref<128x256xf32, #tpu.memory_space<hbm>>
        %dma_start3A_28 = arith.constant 0 : i32
        %dma_start3A_29 = tpu.memref_slice %arg5[%add3A_15, %dma_start3A_28] : memref<16384x256xf32, #tpu.memory_space<hbm>> -> memref<128x256xf32, #tpu.memory_space<hbm>>
        tpu.enqueue_dma source(%arg8 : memref<128x256xf32, #tpu.memory_space<vmem>>) target(%dma_start3A_29 : memref<128x256xf32, #tpu.memory_space<hbm>>) target_semaphore(%run_scoped3A : memref<!tpu.dma_semaphore, #tpu.memory_space<semaphore_mem>>)
        %dma_wait3A_30 = arith.constant 0 : i32
        %dma_wait3A_31 = tpu.memref_slice %arg5[%add3A_15, %dma_wait3A_30] : memref<16384x256xf32, #tpu.memory_space<hbm>> -> memref<128x256xf32, #tpu.memory_space<hbm>>
        %dma_wait3A_32 = arith.constant 0 : i32
        %dma_wait3A_33 = tpu.memref_slice %arg5[%add3A_15, %dma_wait3A_32] : memref<16384x256xf32, #tpu.memory_space<hbm>> -> memref<128x256xf32, #tpu.memory_space<hbm>>
        tpu.wait_dma2 semaphore(%run_scoped3A : memref<!tpu.dma_semaphore, #tpu.memory_space<semaphore_mem>>) src(%arg8 : memref<128x256xf32, #tpu.memory_space<vmem>>) dst(%dma_wait3A_33 : memref<128x256xf32, #tpu.memory_space<hbm>>)
        tpu.yield
      }) : () -> ()
    }
    %scan3A_11 = arith.constant 4 : i32
    "tpu.region"() ({
      %run_scoped3A = tpu.sem_alloc : memref<!tpu.dma_semaphore, #tpu.memory_space<semaphore_mem>>
      %dma_start3A = arith.constant 0 : i32
      %dma_start3A_12 = tpu.memref_slice %arg6[%add3A, %dma_start3A] : memref<32x16xf32, #tpu.memory_space<hbm>> -> memref<1x16xf32, #tpu.memory_space<hbm>>
      %dma_start3A_13 = tpu.memref_squeeze %dma_start3A_12 : memref<1x16xf32, #tpu.memory_space<hbm>> -> memref<16xf32, #tpu.memory_space<hbm>>
      %dma_start3A_14 = arith.constant 0 : i32
      %dma_start3A_15 = tpu.memref_slice %arg6[%add3A, %dma_start3A_14] : memref<32x16xf32, #tpu.memory_space<hbm>> -> memref<1x16xf32, #tpu.memory_space<hbm>>
      %dma_start3A_16 = tpu.memref_squeeze %dma_start3A_15 : memref<1x16xf32, #tpu.memory_space<hbm>> -> memref<16xf32, #tpu.memory_space<hbm>>
      tpu.enqueue_dma source(%arg10 : memref<16xf32, #tpu.memory_space<vmem>>) target(%dma_start3A_16 : memref<16xf32, #tpu.memory_space<hbm>>) target_semaphore(%run_scoped3A : memref<!tpu.dma_semaphore, #tpu.memory_space<semaphore_mem>>)
      %dma_wait3A = arith.constant 0 : i32
      %dma_wait3A_17 = tpu.memref_slice %arg6[%add3A, %dma_wait3A] : memref<32x16xf32, #tpu.memory_space<hbm>> -> memref<1x16xf32, #tpu.memory_space<hbm>>
      %dma_wait3A_18 = tpu.memref_squeeze %dma_wait3A_17 : memref<1x16xf32, #tpu.memory_space<hbm>> -> memref<16xf32, #tpu.memory_space<hbm>>
      %dma_wait3A_19 = arith.constant 0 : i32
      %dma_wait3A_20 = tpu.memref_slice %arg6[%add3A, %dma_wait3A_19] : memref<32x16xf32, #tpu.memory_space<hbm>> -> memref<1x16xf32, #tpu.memory_space<hbm>>
      %dma_wait3A_21 = tpu.memref_squeeze %dma_wait3A_20 : memref<1x16xf32, #tpu.memory_space<hbm>> -> memref<16xf32, #tpu.memory_space<hbm>>
      tpu.wait_dma2 semaphore(%run_scoped3A : memref<!tpu.dma_semaphore, #tpu.memory_space<semaphore_mem>>) src(%arg10 : memref<16xf32, #tpu.memory_space<vmem>>) dst(%dma_wait3A_21 : memref<16xf32, #tpu.memory_space<hbm>>)
      tpu.yield
    }) : () -> ()
    return
  }
}

module attributes {stable_mosaic.version = 14 : i64} {
  func.func @_argmin_body(%arg0: i32, %arg1: memref<256x256xf32, #tpu.memory_space<vmem>>, %arg2: memref<256x8192xf32, #tpu.memory_space<vmem>>, %arg3: memref<256x1xi32, #tpu.memory_space<vmem>>, %arg4: memref<1x8192xf32, #tpu.memory_space<vmem>>) attributes {dimension_semantics = [#tpu.dimension_semantics<arbitrary>], iteration_bounds = array<i64: 64>, scalar_prefetch = 0 : i64, scratch_operands = 1 : i64, tpu.core_type = #tpu.core_type<tc>, window_params = [{transform_indices = @transform_0, window_bounds = array<i64: 256, 256>}, {pipeline_mode = #tpu.pipeline_mode<synchronous>, transform_indices = @transform_1, window_bounds = array<i64: 256, 8192>}, {transform_indices = @transform_2, window_bounds = array<i64: 256, 1>}]} {
    %eq3A = arith.constant 0 : i32
    %eq3A_0 = arith.cmpi eq, %arg0, %eq3A : i32
    %convert_element_type3A = arith.extui %eq3A_0 : i1 to i32
    %cond3A = arith.constant 0 : i32
    %cond3A_1 = arith.cmpi ne, %convert_element_type3A, %cond3A : i32
    scf.if %cond3A_1 {
      %get3A_25 = arith.constant 0 : index
      %get3A_26 = arith.constant 0 : index
      %get3A_27 = vector.load %arg2[%get3A_25, %get3A_26] : memref<256x8192xf32, #tpu.memory_space<vmem>>, vector<256x8192xf32>
      %mul3A_28 = arith.mulf %get3A_27, %get3A_27 : vector<256x8192xf32>
      %reduce_sum3A_29 = arith.constant dense<0.000000e+00> : vector<8192xf32>
      %reduce_sum3A_30 = vector.multi_reduction <add>, %mul3A_28, %reduce_sum3A_29 [0] : vector<256x8192xf32> to vector<8192xf32>
      %broadcast_in_dim3A_31 = vector.shape_cast %reduce_sum3A_30 : vector<8192xf32> to vector<1x8192xf32>
      %swap3A_32 = arith.constant 0 : index
      %swap3A_33 = arith.constant 0 : index
      %swap3A_34 = vector.load %arg4[%swap3A_32, %swap3A_33] : memref<1x8192xf32, #tpu.memory_space<vmem>>, vector<1x8192xf32>
      tpu.vector_store %arg4[%swap3A_32, %swap3A_33], %broadcast_in_dim3A_31 {strides = array<i32>} : memref<1x8192xf32, #tpu.memory_space<vmem>>, vector<1x8192xf32>,
    } else {
    }
    %get3A = arith.constant 0 : index
    %get3A_2 = arith.constant 0 : index
    %get3A_3 = vector.load %arg1[%get3A, %get3A_2] : memref<256x256xf32, #tpu.memory_space<vmem>>, vector<256x256xf32>
    %mul3A = arith.mulf %get3A_3, %get3A_3 : vector<256x256xf32>
    %reduce_sum3A = arith.constant dense<0.000000e+00> : vector<256xf32>
    %reduce_sum3A_4 = vector.multi_reduction <add>, %mul3A, %reduce_sum3A [1] : vector<256x256xf32> to vector<256xf32>
    %broadcast_in_dim3A = vector.shape_cast %reduce_sum3A_4 : vector<256xf32> to vector<256x1xf32>
    %add3A = arith.addf %get3A_3, %get3A_3 : vector<256x256xf32>
    %get3A_5 = arith.constant 0 : index
    %get3A_6 = arith.constant 0 : index
    %get3A_7 = vector.load %arg2[%get3A_5, %get3A_6] : memref<256x8192xf32, #tpu.memory_space<vmem>>, vector<256x8192xf32>
    %dot_general3A = arith.constant dense<0.000000e+00> : vector<256x8192xf32>
    %dot_general3A_8 = tpu.matmul %add3A, %get3A_7, %dot_general3A {dimension_numbers = #tpu.dot_dimension_numbers<[1], [0], [0], [1], [0, 0, 1, 1], [], []>, transpose_lhs_hint = false} : vector<256x256xf32>, vector<256x8192xf32>, vector<256x8192xf32> -> vector<256x8192xf32>
    %get3A_9 = arith.constant 0 : index
    %get3A_10 = arith.constant 0 : index
    %get3A_11 = vector.load %arg4[%get3A_9, %get3A_10] : memref<1x8192xf32, #tpu.memory_space<vmem>>, vector<1x8192xf32>
    %add3A_12 = vector.broadcast %broadcast_in_dim3A : vector<256x1xf32> to vector<256x8192xf32>
    %add3A_13 = vector.broadcast %get3A_11 : vector<1x8192xf32> to vector<256x8192xf32>
    %add3A_14 = arith.addf %add3A_12, %add3A_13 : vector<256x8192xf32>
    %sub3A = arith.subf %add3A_14, %dot_general3A_8 : vector<256x8192xf32>
    %reduce_min3A = arith.constant dense<0x7F800000> : vector<256xf32>
    %reduce_min3A_15 = vector.multi_reduction <minimumf>, %sub3A, %reduce_min3A [1] : vector<256x8192xf32> to vector<256xf32>
    %broadcast_in_dim3A_16 = vector.shape_cast %reduce_min3A_15 : vector<256xf32> to vector<256x1xf32>
    %iota3A = tpu.iota {dimensions = array<i32: 1>} : vector<256x8192xi32>
    %eq3A_17 = vector.broadcast %broadcast_in_dim3A_16 : vector<256x1xf32> to vector<256x8192xf32>
    %eq3A_18 = arith.cmpf oeq, %sub3A, %eq3A_17 : vector<256x8192xf32>
    %jit3A = arith.constant 8192 : i32
    %broadcast_in_dim3A_19 = vector.broadcast %jit3A : i32 to vector<256x8192xi32>
    %select_n3A = arith.select %eq3A_18, %iota3A, %broadcast_in_dim3A_19 : vector<256x8192xi1>, vector<256x8192xi32>
    %reduce_min3A_20 = arith.constant dense<2147483647> : vector<256xi32>
    %reduce_min3A_21 = vector.multi_reduction <minsi>, %select_n3A, %reduce_min3A_20 [1] : vector<256x8192xi32> to vector<256xi32>
    %broadcast_in_dim3A_22 = vector.shape_cast %reduce_min3A_21 : vector<256xi32> to vector<256x1xi32>
    %swap3A = arith.constant 0 : index
    %swap3A_23 = arith.constant 0 : index
    %swap3A_24 = vector.load %arg3[%swap3A, %swap3A_23] : memref<256x1xi32, #tpu.memory_space<vmem>>, vector<256x1xi32>
    tpu.vector_store %arg3[%swap3A, %swap3A_23], %broadcast_in_dim3A_22 {strides = array<i32>} : memref<256x1xi32, #tpu.memory_space<vmem>>, vector<256x1xi32>,
    return
  }
  func.func @transform_0(%arg0: i32) -> (i32, i32) {
    %c0_i32 = arith.constant 0 : i32
    %c0_i32_0 = arith.constant 0 : i32
    return %arg0, %c0_i32 : i32, i32
  }
  func.func @transform_1(%arg0: i32) -> (i32, i32) {
    %c0_i32 = arith.constant 0 : i32
    %c0_i32_0 = arith.constant 0 : i32
    %c0_i32_1 = arith.constant 0 : i32
    return %c0_i32, %c0_i32_0 : i32, i32
  }
  func.func @transform_2(%arg0: i32) -> (i32, i32) {
    %c0_i32 = arith.constant 0 : i32
    %c0_i32_0 = arith.constant 0 : i32
    return %arg0, %c0_i32 : i32, i32
  }
}

</mosaic_0001>

<sc_bundles>
// kernel: kernel.4.cloned.1.call-start
scs
__scs_entry_jumppad:
0x0: {  	(pc) =	sbr.rel $0x88, $3  }
0x1: {  	(tag) =	ssettag $0x0;
	lr =	simm.s32 $0x1  }
0x2: {  	[smem:$0x3F9F] =	sst lr;
	_ =	strace $0xD0000000  }
0x3: {  	_ = 	snop  }
0x4: {  	_ = 	snop  }
0x5: {  	_ = 	snop  }
0x6: {  	_ = 	snop  }
0x7: {  	_ = 	snop  }
__scs_overlays_trampoline_lowered:
0x8: {  	[smem:$0x3FAE] =	sst s0  }
0x9: {  	[smem:$0x3FAF] =	sst s1  }
0xa: {  	[smem:$0x3FB0] =	sst s2  }
0xb: {  	[smem:$0x3FB1] =	sst s3  }
0xc: {  	[smem:$0x3FB2] =	sst s4  }
0xd: {  	[smem:$0x3FB3] =	sst s5  }
0xe: {  	[smem:$0x3FB4] =	sst s6  }
0xf: {  	[smem:$0x3FB5] =	sst s7  }
0x10: {  	[smem:$0x3FB6] =	sst s8  }
0x11: {  	[smem:$0x3FB7] =	sst s9;
	s0 =	simm.s32 @!p0 $0x0  }
0x12: {  	s1 =	sld [smem:$0x3F9D];
	s0 =	simm.s32 @p0 $0x1  }
0x13: {  	[smem:$0x3FB8] =	sst s0;
	s0 =	simm.s32 @!p1 $0x0  }
0x14: {  	s2 =	sld [smem:$0x3F9C];
	s0 =	simm.s32 @p1 $0x1  }
0x15: {  	[smem:$0x3FB9] =	sst s0;
	s0 =	simm.s32 @!p2 $0x0  }
0x16: {  	s3 =	sld [smem:$0x3FDB];
	s0 =	simm.s32 @p2 $0x1  }
0x17: {  	s4 =	simm.s32 $0x1BF5;
	[smem:$0x3FBB] =	sst s0  }
0x18: {  	s0 =	sld [smem:$0x3F9E];
	_ =	swait.ge [sflag:s4], $0x0  }
0x19: {  	s7 =	sld [smem:$0x3F9F]  }
0x1a: {  	s8 =	sadd.s32 $0xFFFFE003, lr  }
0x1b: {  	s9 =	sadd.s32 $0xFFFFFEF7, lr;
	s5 =	simm.s32 $0xFFFFFFFF;
	p2 =	slt.u32 s8, $0xFFFFF086  }
0x1c: {  	p1 =	slt.u32 s9, $0xF7A;
	s5 =	simm.s32 @!p2 $0x0  }
0x1d: {  	s5 =	simm.s32 @p1 $0x1;
	p0 =	seq.s32 s7, s2  }
0x1e: {  	s7 =	smul.u32 @!p0 $0xF7A, s2;
	p2 =	seq.s32 @!p0 s5, $0x0  }
0x1f: {  	s9 =	smul.u32 $0xF7A, s1;
	s8 =	simm.s32 @!p0 $0x1BF5;
	p2 =	por !p2, p0  }
0x20: {  	[sflag:s8] =	ssyncset.s32 @!p0 $0xFFFFF086;
	s6 =	sadd.s32 @!p0 s3, s7;
	s7 =	simm.s32 @!p0 $0x108  }
0x21: {  	s3 =	sadd.s32 s3, s9;
	s6 =	sadd.s32 @!p0 $0x88, s6;
	s7 =	simm.s32 @p2 $0x1082  }
0x22: {  	[simem:s7], [sflag:s8] =	dma.local @!p0 [hbm:s6], $0xF7A  }
0x23: {  	s9 =	sor.u32 $0xD0000000, s2;
	s6 =	simm.s32 $0x108;
	_ =	swait.ge @!p0 [sflag:s8], $0x0  }
0x24: {  	s3 =	sadd.s32 $0x88, s3;
	s6 =	simm.s32 @!p1 $0x1082;
	[sflag:s4] =	ssyncset.s32 $0xFFFFF086  }
0x25: {  	[simem:s6], [sflag:s4] =	dma.local [hbm:s3], $0xF7A  }
0x26: {  	[smem:$0x3F9F] =	sst s1;
	(tag) =	ssettag s2;
	_ =	strace s9  }
0x27: {  	s1 =	sld [smem:$0x3FAF]  }
0x28: {  	s2 =	sld [smem:$0x3FB0]  }
0x29: {  	s4 =	sld [smem:$0x3FB2]  }
0x2a: {  	p0 =	seq.s32 s5, $0x0;
	s5 =	sld [smem:$0x3FB3]  }
0x2b: {  	s6 =	sld [smem:$0x3FB4]  }
0x2c: {  	s7 =	sld [smem:$0x3FB5]  }
0x2d: {  	s3 =	simm.s32 $0x108;
	s8 =	sld [smem:$0x3FB6]  }
0x2e: {  	s3 =	simm.s32 @!p0 $0x1082;
	s9 =	sld [smem:$0x3FB7]  }
0x2f: {  	lr =	sadd.s32 s0, s3;
	s0 =	sld [smem:$0x3FAE]  }
0x30: {  	s3 =	sld [smem:$0x3FB1]  }
0x31: {  	[smem:$0x3FBA] =	sst s10  }
0x32: {  	s10 =	sld [smem:$0x3FB8];
	_ =	sdelay $0x3  }
0x33: {  	p0 =	seq.s32 s10, $0x1;
	s10 =	sld [smem:$0x3FBA];
	_ =	sdelay $0x3  }
0x34: {  	[smem:$0x3FBA] =	sst s10  }
0x35: {  	s10 =	sld [smem:$0x3FB9];
	_ =	sdelay $0x3  }
0x36: {  	p1 =	seq.s32 s10, $0x1;
	s10 =	sld [smem:$0x3FBA];
	_ =	sdelay $0x3  }
0x37: {  	[smem:$0x3FBA] =	sst s10  }
0x38: {  	s10 =	sld [smem:$0x3FBB]  }
0x39: {  	_ = 	snop;
	(pc) =	sbr.ind lr, $3  }
0x3a: {  	_ = 	snop  }
0x3b: {  	_ = 	snop  }
0x3c: {  	p2 =	seq.s32 s10, $0x1;
	s10 =	sld [smem:$0x3FBA]  }
0x3d: {  	_ =	shalt  }
0x3e: {  	_ =	shalt  }
0x3f: {  	_ =	shalt  }
0x40: {  	_ =	shalt  }
0x41: {  	_ =	shalt  }
0x42: {  	_ =	shalt  }
0x43: {  	_ =	shalt  }
0x44: {  	_ =	shalt  }
0x45: {  	_ =	shalt  }
0x46: {  	_ =	shalt  }
0x47: {  	_ =	shalt  }
0x48: {  	_ =	shalt  }
0x49: {  	_ =	shalt  }
0x4a: {  	_ =	shalt  }
0x4b: {  	_ =	shalt  }
0x4c: {  	_ =	shalt  }
0x4d: {  	_ =	shalt  }
0x4e: {  	_ =	shalt  }
0x4f: {  	_ =	shalt  }
0x50: {  	_ =	shalt  }
0x51: {  	_ =	shalt  }
0x52: {  	_ =	shalt  }
0x53: {  	_ =	shalt  }
0x54: {  	_ =	shalt  }
0x55: {  	_ =	shalt  }
0x56: {  	_ =	shalt  }
0x57: {  	_ =	shalt  }
0x58: {  	_ =	shalt  }
0x59: {  	_ =	shalt  }
0x5a: {  	_ =	shalt  }
0x5b: {  	_ =	shalt  }
0x5c: {  	_ =	shalt  }
0x5d: {  	_ =	shalt  }
0x5e: {  	_ =	shalt  }
0x5f: {  	_ =	shalt  }
0x60: {  	_ =	shalt  }
0x61: {  	_ =	shalt  }
0x62: {  	_ =	shalt  }
0x63: {  	_ =	shalt  }
0x64: {  	_ =	shalt  }
0x65: {  	_ =	shalt  }
0x66: {  	_ =	shalt  }
0x67: {  	_ =	shalt  }
0x68: {  	_ =	shalt  }
0x69: {  	_ =	shalt  }
0x6a: {  	_ =	shalt  }
0x6b: {  	_ =	shalt  }
0x6c: {  	_ =	shalt  }
0x6d: {  	_ =	shalt  }
0x6e: {  	_ =	shalt  }
0x6f: {  	_ =	shalt  }
0x70: {  	_ =	shalt  }
0x71: {  	_ =	shalt  }
0x72: {  	_ =	shalt  }
0x73: {  	_ =	shalt  }
0x74: {  	_ =	shalt  }
0x75: {  	_ =	shalt  }
0x76: {  	_ =	shalt  }
0x77: {  	_ =	shalt  }
0x78: {  	_ =	shalt  }
0x79: {  	_ =	shalt  }
0x7a: {  	_ =	shalt  }
0x7b: {  	_ =	shalt  }
0x7c: {  	_ =	shalt  }
0x7d: {  	_ =	shalt  }
0x7e: {  	_ =	shalt  }
0x7f: {  	_ =	shalt  }
0x80: {  	_ =	shalt  }
0x81: {  	_ =	shalt  }
0x82: {  	_ =	shalt  }
0x83: {  	_ =	shalt  }
0x84: {  	_ =	shalt  }
0x85: {  	_ =	shalt  }
0x86: {  	_ =	shalt  }
0x87: {  	_ =	shalt  }
.Lfunc_end0:
.L_simem_size_0:
called_computation_lowered:
.L_overlay_start_0:
0x88: {  	s2 =	sld [smem:$0x3FD9]  }
0x89: {  	s3 =	sld [smem:$0x3FFE];
	_ =	sdelay $0x1  }
0x8a: {  	s1 =	srdreg.scid  }
0x8b: {  	s0 =	sand.u32 $0x1, s1  }
0x8c: {  	s14 =	sshll.u32 s0, $0xA;
	s2 =	sadd.s32 s3, s2  }
0x8d: {  	s2 =	sadd.s32 s2, s14  }
0x8e: {  	[smem:$0x3FC6] =	sst s2  }
0x8f: {  	_ = 	snop  }
0x90: {  	s2 =	sld [smem:$0x3FD0];
	_ =	sdelay $0x1  }
0x91: {  	s15 =	sld [smem:$0x3FC9]  }
0x92: {  	s5 =	simm.s32 $0xA;
	s6 =	simm.s32 $0x10;
	s4 =	sld [smem:$0x3FC8]  }
0x93: {  	[smem:s6], [sflag:s5] =	dma.local [hbm:s2], $0x1  }
0x94: {  	_ =	swait.eq [sflag:s5], $0x1  }
0x95: {  	[sflag:s5] =	ssyncset.done $0x0  }
0x96: {  	[sflag:s5] =	ssyncadd.s32 $0xFFFFFFFF  }
0x97: {  	s16 =	sld [smem:$0x10];
	(tm) =	ssettm $0x1  }
0x98: {  	s17 =	sld [smem:$0x3FFB];
	_ =	sdelay $0x3  }
0x99: {  	_ =	strace s17  }
0x9a: {  	s5 =	sld [smem:$0x3FFC];
	_ =	sdelay $0x3  }
0x9b: {  	_ =	strace s5  }
0x9c: {  	s5 =	sld [smem:$0x3FFD];
	_ =	sdelay $0x3  }
0x9d: {  	_ =	strace s5  }
0x9e: {  	_ =	strace $0x8FFFFFFF  }
0x9f: {  	s18 =	sld [smem:$0x3FDB];
	_ =	sdelay $0x1  }
0xa0: {  	s19 =	simm.s32 $_scs_section_size  }
0xa1: {  	s7 =	simm.s32 $_size__tile_overlayer_lowered;
	s8 =	simm.s32 $_tile_overlayer_lowered  }
0xa2: {  	s22 =	simm.s32 $0x1BFF;
	s21 =	sshll.u32 s8, $0x1;
	s5 =	sadd.s32 s19, s18  }
0xa3: {  	s9 =	simm.s32 $0x0;
	s20 =	sshll.u32 s7, $0x1;
	s7 =	sadd.s32 s21, s5  }
0xa4: {  	[timem:s9], [sflag:s22] =	dma.local [hbm:s7], s20  }
0xa5: {  	_ =	swait.ge [sflag:s22], s20  }
0xa6: {  	s6 =	ssub.s32 $0x0, s20;
	[sflag:s22] =	ssyncset.done $0x0  }
0xa7: {  	[sflag:s22] =	ssyncadd.s32 s6;
	_ =	sdelay $0x1  }
0xa8: {  	s23 =	simm.s32 $0x1B8B  }
0xa9: {  	_ =	swait.ge [sflag:s23], $0x1  }
0xaa: {  	[sflag:s23] =	ssyncset.done $0x0  }
0xab: {  	s25 =	simm.s32 $0x1B8E;
	s24 =	sld [smem:$0x3FFE];
	[sflag:s23] =	ssyncadd.s32 $0xFFFFFFFF  }
0xac: {  	s26 =	simm.s32 $execute0_lowered;
	[smem:$0x3FD2] =	sst s25  }
0xad: {  	s7 =	sshll.u32 s26, $0x1;
	_ =	strace $0x80000046;
	[dreg:$0x1] =	wrdreg $0xFFFFFFFF  }
0xae: {  	s28 =	simm.s32 $_size_execute0_lowered;
	s5 =	sadd.s32 s5, s7;
	[dreg:$0x0] =	wrdreg $0x0  }
0xaf: {  	s7 =	sshll.u32 s28, $0x1;
	[dreg:$0x2] =	wrdreg s5  }
0xb0: {  	[dreg:$0x3] =	wrdreg s7  }
0xb1: {  	[dreg:$0x4] =	wrdreg $0xC0  }
0xb2: {  	_ =	task [dreg:s9], $0x5FFFF  }
0xb3: {  	[dreg:$0x1] =	wrdreg $0xFFFFFFFF  }
0xb4: {  	[dreg:$0x0] =	wrdreg $0x60  }
0xb5: {  	[dreg:$0x2] =	wrdreg s4  }
0xb6: {  	[dreg:$0x3] =	wrdreg s15  }
0xb7: {  	[dreg:$0x4] =	wrdreg s24  }
0xb8: {  	[dreg:$0x5] =	wrdreg s16  }
0xb9: {  	[dreg:$0x6] =	wrdreg $0x9  }
0xba: {  	_ =	task.clear_ibuf [dreg:s9], $0x7FFFF;
	_ =	strace $0x90000046  }
0xbb: {  	s29 =	simm.s32 $0x9;
	_ =	strace $0x80000048  }
0xbc: {  	_ =	swait.ge [sflag:s29], $0x1  }
0xbd: {  	[sflag:s29] =	ssyncadd.s32 $0xFFFFFFFF  }
0xbe: {  	_ =	strace $0x90000048  }
0xbf: {  	_ =	sfence  }
0xc0: {  	s30 =	sld [smem:$0x0];
	_ =	sdelay $0x2  }
0xc1: {  	s31 =	sshll.u32 s1, $0xD;
	s1 =	sshrl.u32 s1, $0x2  }
0xc2: {  	s3 =	sand.u32 $0x4000, s31;
	s1 =	sadd.s32 s1, s30  }
0xc3: {  	s0 =	sor.u32 s3, s0;
	s1 =	sshll.u32 s1, $0x11  }
0xc4: {  	s0 =	sor.u32 s1, s0  }
0xc5: {  	s0 =	sadd.s32 $0x8F2B, s0  }
0xc6: {  	[sflag:s0] =	ssyncadd.remote.s32 $0x1  }
0xc7: {  	_ =	sfence.sel $0xFFFF  }
0xc8: {  	[dreg:$0x0] =	wrdreg $0xFFFFFFFF;
	(pc) =	sbr.abs _section_cstart, $3  }
0xc9: {  	[dreg:$0x1] =	wrdreg $0xFFFFFFFF  }
0xca: {  	_ =	task.clear_ibuf [dreg:s9], $0x2FFFF;
	_ =	strace $0x9FFFFFFF  }
0xcb: {  	(tm) =	ssettm $0x7FFFFFFF  }
tec
execute0_lowered:
.L_overlay_start_1:
0x0: {  	(tag) =	ssettag $0x1  }
0x1: {  	s1 =	rddreg [dreg:$0x0]  }
0x2: {  	s4 =	rddreg [dreg:$0x2]  }
0x3: {  	s5 =	rddreg [dreg:$0x3]  }
0x4: {  	s0 =	srdreg.scid;
	s2 =	stileid.u32  }
0x5: {  	s6 =	simm.s32 $0x0;
	s10 =	simm.s32 $0x2;
	s11 =	simm.s32 $0x80  }
0x6: {  	s12 =	simm.s32 $0x880;
	s13 =	simm.s32 $0x1080;
	s14 =	simm.s32 $0x1880  }
0x7: {  	s15 =	simm.s32 $0x2080;
	s16 =	simm.s32 $0x2880;
	s17 =	simm.s32 $0x3080  }
0x8: {  	s18 =	simm.s32 $0x3880;
	s19 =	simm.s32 $0x4080;
	s20 =	simm.s32 $0x4880  }
0x9: {  	s21 =	simm.s32 $0x5080;
	s22 =	simm.s32 $0x5880;
	s23 =	simm.s32 $0x6080  }
0xa: {  	s24 =	simm.s32 $0x6880;
	s0 =	sand.u32 $0x1, s0;
	s2 =	sshll.u32 s2, $0x1  }
0xb: {  	s25 =	simm.s32 $0x7080;
	s26 =	simm.s32 $0x7880;
	s2 =	sor.u32 s0, s2  }
0xc: {  	s28 =	simm.s32 $0x1;
	s0 =	ssub.s32 $0x2, s0;
	s7 =	sshll.u32 s2, $0x4  }
0xd: {  	s29 =	simm.s32 $0x8080;
	s8 =	sshrl.u32 s0, $0x1;
	s9 =	sadd.s32 s7, s4  }
0xe: {  	v3 =	vlaneseq.u32;
	[smem:$0x7FF] =	sst s6;
	s0 =	ssub.s32 s0, s8;
	s31 =	sadd.s32 $0x800, s9  }
0xf: {  	v0 =	vimm.f32 $0.0e+00;
	vm0 =	vmmov $0xffff;
	v2 =	vshrl.u32 v3, $0x3;
	_ =	strace $0x80000047;
	s0 =	smax.u32 s0, $0x1;
	[dreg:$0x5] =	wrdreg s31  }
0x10: {  	v1 =	vand.u32 $0x7, v3;
	v3 =	vor.u32 $0x8, v3;
	v2 =	vmul.u32 $0x8, v2;
	s7 =	sshll.u32 s2, $0x9;
	s2 =	simm.s32 $0x0;
	[dreg:$0x6] =	wrdreg s0  }
.LBB2_1:
0x11: {  	[dreg:$0x7] =	wrdreg s2;
	[tilespmem:$0x10080] =	vst v0;
	s0 =	simm.s32 $0x0  }
.LBB2_2:
0x12: {  	s2 =	sshll.u32 s0, $0x7  }
0x13: {  	s2 =	sadd.s32 s7, s2  }
0x14: {  	s8 =	sshrl.u32 s2, $0x3  }
0x15: {  	s30 =	simm.s32 $0x0;
	s8 =	sadd.s32 s4, s8  }
0x16: {  	[tilespmem:s30], [sflag:$0x2] =	stream.linear.gather [hbm4b:s8+s30], $0x80, $0x38;
	[tilespmem:$0x10100] =	vst v63  }
0x17: {  	_ =	swait.ge [sflag:s10], $0x80  }
0x18: {  	[sflag:s10] =	ssyncset.done $0x0  }
0x19: {  	[sflag:s10] =	ssyncadd.s32 $0xFFFFFF80  }
0x1a: {  	v4 =	vld [tilespmem:$0x0];
	_ =	sdelay $0x4  }
0x1b: {  	v5 =	vshll.u32 v4, $0x1  }
0x1c: {  	v4 =	vand.u32 $0x7, v4;
	v5 =	vand.u32 $0xFFFFFFF0, v5  }
0x1d: {  	v4 =	vor.u32 v4, v5  }
0x1e: {  	v5 =	vperm.xlane v4, v1;
	_ =	sdelay $0x1  }
0x1f: {  	v4 =	vperm.xlane v4, v3;
	v5 =	vadd.s32 v2, v5;
	_ =	sdelay $0x1  }
0x20: {  	v4 =	vadd.s32 v2, v4;
	_ =	sdelay $0x2  }
0x21: {  	[tilespmem:s11], [sflag:$0x1] =	stream.indirect_vreg.gather [hbm4b:s1+s30], $0x80, v5, vm0, $0xb8;
	[tilespmem:$0x10100] =	vst v63  }
0x22: {  	_ = 	snop  }
0x23: {  	[tilespmem:s12], [sflag:$0x1] =	stream.indirect_vreg.gather [hbm4b:s1+s30], $0x80, v4, vm0, $0xb8;
	[tilespmem:$0x10100] =	vst v63  }
0x24: {  	v4 =	vld [tilespmem:$0x10];
	_ =	sdelay $0x4  }
0x25: {  	v5 =	vshll.u32 v4, $0x1  }
0x26: {  	v4 =	vand.u32 $0x7, v4;
	v5 =	vand.u32 $0xFFFFFFF0, v5  }
0x27: {  	v4 =	vor.u32 v4, v5  }
0x28: {  	v5 =	vperm.xlane v4, v1;
	_ =	sdelay $0x1  }
0x29: {  	v4 =	vperm.xlane v4, v3;
	v5 =	vadd.s32 v2, v5;
	_ =	sdelay $0x1  }
0x2a: {  	v4 =	vadd.s32 v2, v4;
	_ =	sdelay $0x2  }
0x2b: {  	[tilespmem:s13], [sflag:$0x1] =	stream.indirect_vreg.gather [hbm4b:s1+s30], $0x80, v5, vm0, $0xb8;
	[tilespmem:$0x10100] =	vst v63  }
0x2c: {  	_ = 	snop  }
0x2d: {  	[tilespmem:s14], [sflag:$0x1] =	stream.indirect_vreg.gather [hbm4b:s1+s30], $0x80, v4, vm0, $0xb8;
	[tilespmem:$0x10100] =	vst v63  }
0x2e: {  	v4 =	vld [tilespmem:$0x20];
	_ =	sdelay $0x4  }
0x2f: {  	v5 =	vshll.u32 v4, $0x1  }
0x30: {  	v4 =	vand.u32 $0x7, v4;
	v5 =	vand.u32 $0xFFFFFFF0, v5  }
0x31: {  	v4 =	vor.u32 v4, v5  }
0x32: {  	v5 =	vperm.xlane v4, v1;
	_ =	sdelay $0x1  }
0x33: {  	v4 =	vperm.xlane v4, v3;
	v5 =	vadd.s32 v2, v5;
	_ =	sdelay $0x1  }
0x34: {  	v4 =	vadd.s32 v2, v4;
	_ =	sdelay $0x2  }
0x35: {  	[tilespmem:s15], [sflag:$0x1] =	stream.indirect_vreg.gather [hbm4b:s1+s30], $0x80, v5, vm0, $0xb8;
	[tilespmem:$0x10100] =	vst v63  }
0x36: {  	_ = 	snop  }
0x37: {  	[tilespmem:s16], [sflag:$0x1] =	stream.indirect_vreg.gather [hbm4b:s1+s30], $0x80, v4, vm0, $0xb8;
	[tilespmem:$0x10100] =	vst v63  }
0x38: {  	v4 =	vld [tilespmem:$0x30];
	_ =	sdelay $0x4  }
0x39: {  	v5 =	vshll.u32 v4, $0x1  }
0x3a: {  	v4 =	vand.u32 $0x7, v4;
	v5 =	vand.u32 $0xFFFFFFF0, v5  }
0x3b: {  	v4 =	vor.u32 v4, v5  }
0x3c: {  	v5 =	vperm.xlane v4, v1;
	_ =	sdelay $0x1  }
0x3d: {  	v4 =	vperm.xlane v4, v3;
	v5 =	vadd.s32 v2, v5;
	_ =	sdelay $0x1  }
0x3e: {  	v4 =	vadd.s32 v2, v4;
	_ =	sdelay $0x2  }
0x3f: {  	[tilespmem:s17], [sflag:$0x1] =	stream.indirect_vreg.gather [hbm4b:s1+s30], $0x80, v5, vm0, $0xb8;
	[tilespmem:$0x10100] =	vst v63  }
0x40: {  	_ = 	snop  }
0x41: {  	[tilespmem:s18], [sflag:$0x1] =	stream.indirect_vreg.gather [hbm4b:s1+s30], $0x80, v4, vm0, $0xb8;
	[tilespmem:$0x10100] =	vst v63  }
0x42: {  	v4 =	vld [tilespmem:$0x40];
	_ =	sdelay $0x4  }
0x43: {  	v5 =	vshll.u32 v4, $0x1  }
0x44: {  	v4 =	vand.u32 $0x7, v4;
	v5 =	vand.u32 $0xFFFFFFF0, v5  }
0x45: {  	v4 =	vor.u32 v4, v5  }
0x46: {  	v5 =	vperm.xlane v4, v1;
	_ =	sdelay $0x1  }
0x47: {  	v4 =	vperm.xlane v4, v3;
	v5 =	vadd.s32 v2, v5;
	_ =	sdelay $0x1  }
0x48: {  	v4 =	vadd.s32 v2, v4;
	_ =	sdelay $0x2  }
0x49: {  	[tilespmem:s19], [sflag:$0x1] =	stream.indirect_vreg.gather [hbm4b:s1+s30], $0x80, v5, vm0, $0xb8;
	[tilespmem:$0x10100] =	vst v63  }
0x4a: {  	_ = 	snop  }
0x4b: {  	[tilespmem:s20], [sflag:$0x1] =	stream.indirect_vreg.gather [hbm4b:s1+s30], $0x80, v4, vm0, $0xb8;
	[tilespmem:$0x10100] =	vst v63  }
0x4c: {  	v4 =	vld [tilespmem:$0x50];
	_ =	sdelay $0x4  }
0x4d: {  	v5 =	vshll.u32 v4, $0x1  }
0x4e: {  	v4 =	vand.u32 $0x7, v4;
	v5 =	vand.u32 $0xFFFFFFF0, v5  }
0x4f: {  	v4 =	vor.u32 v4, v5  }
0x50: {  	v5 =	vperm.xlane v4, v1;
	_ =	sdelay $0x1  }
0x51: {  	v4 =	vperm.xlane v4, v3;
	v5 =	vadd.s32 v2, v5;
	_ =	sdelay $0x1  }
0x52: {  	v4 =	vadd.s32 v2, v4;
	_ =	sdelay $0x2  }
0x53: {  	[tilespmem:s21], [sflag:$0x1] =	stream.indirect_vreg.gather [hbm4b:s1+s30], $0x80, v5, vm0, $0xb8;
	[tilespmem:$0x10100] =	vst v63  }
0x54: {  	_ = 	snop  }
0x55: {  	[tilespmem:s22], [sflag:$0x1] =	stream.indirect_vreg.gather [hbm4b:s1+s30], $0x80, v4, vm0, $0xb8;
	[tilespmem:$0x10100] =	vst v63  }
0x56: {  	v4 =	vld [tilespmem:$0x60];
	_ =	sdelay $0x4  }
0x57: {  	v5 =	vshll.u32 v4, $0x1  }
0x58: {  	v4 =	vand.u32 $0x7, v4;
	v5 =	vand.u32 $0xFFFFFFF0, v5  }
0x59: {  	v4 =	vor.u32 v4, v5  }
0x5a: {  	v5 =	vperm.xlane v4, v1;
	_ =	sdelay $0x1  }
0x5b: {  	v4 =	vperm.xlane v4, v3;
	v5 =	vadd.s32 v2, v5;
	_ =	sdelay $0x1  }
0x5c: {  	v4 =	vadd.s32 v2, v4;
	_ =	sdelay $0x2  }
0x5d: {  	[tilespmem:s23], [sflag:$0x1] =	stream.indirect_vreg.gather [hbm4b:s1+s30], $0x80, v5, vm0, $0xb8;
	[tilespmem:$0x10100] =	vst v63  }
0x5e: {  	_ = 	snop  }
0x5f: {  	[tilespmem:s24], [sflag:$0x1] =	stream.indirect_vreg.gather [hbm4b:s1+s30], $0x80, v4, vm0, $0xb8;
	[tilespmem:$0x10100] =	vst v63  }
0x60: {  	v4 =	vld [tilespmem:$0x70];
	_ =	sdelay $0x4  }
0x61: {  	v5 =	vshll.u32 v4, $0x1  }
0x62: {  	v4 =	vand.u32 $0x7, v4;
	v5 =	vand.u32 $0xFFFFFFF0, v5  }
0x63: {  	v4 =	vor.u32 v4, v5  }
0x64: {  	v5 =	vperm.xlane v4, v1;
	_ =	sdelay $0x1  }
0x65: {  	v4 =	vperm.xlane v4, v3;
	v5 =	vadd.s32 v2, v5;
	_ =	sdelay $0x1  }
0x66: {  	v4 =	vadd.s32 v2, v4;
	_ =	sdelay $0x2  }
0x67: {  	[tilespmem:s25], [sflag:$0x1] =	stream.indirect_vreg.gather [hbm4b:s1+s30], $0x80, v5, vm0, $0xb8;
	[tilespmem:$0x10100] =	vst v63  }
0x68: {  	_ = 	snop  }
0x69: {  	[tilespmem:s26], [sflag:$0x1] =	stream.indirect_vreg.gather [hbm4b:s1+s30], $0x80, v4, vm0, $0xb8;
	[tilespmem:$0x10100] =	vst v63  }
0x6a: {  	_ =	swait.ge [sflag:s28], $0x8000  }
0x6b: {  	[sflag:s28] =	ssyncset.done $0x0  }
0x6c: {  	[sflag:s28] =	ssyncadd.s32 $0xFFFF8000  }
0x6d: {  	s2 =	sshll.u32 s2, $0x5;
	s3 =	rddreg [dreg:$0x1]  }
0x6e: {  	s9 =	sadd.s32 s3, s2  }
0x6f: {  	[tilespmem:s29], [sflag:$0x2] =	stream.linear.gather [hbm4b:s9+s30], $0x8000, $0x38;
	[tilespmem:$0x10100] =	vst v63  }
0x70: {  	_ =	swait.ge [sflag:s10], $0x8000  }
0x71: {  	s31 =	sand.u32 $0x7800, s30;
	s9 =	sand.u32 $0x380, s30;
	[sflag:s10] =	ssyncset.done $0x0  }
0x72: {  	s8 =	sor.u32 s9, s31;
	[sflag:s10] =	ssyncadd.s32 $0xFFFF8000  }
0x73: {  	v6 =	vld [tilespmem:s8+$0x80A0]  }
0x74: {  	v14 =	vld [tilespmem:s8+$0x80]  }
0x75: {  	v4 =	vld [tilespmem:s8+$0x4D0]  }
0x76: {  	v7 =	vld [tilespmem:s8+$0x84D0]  }
0x77: {  	v8 =	vld [tilespmem:s8+$0xA0]  }
0x78: {  	v12 =	vld [tilespmem:s8+$0x8080]  }
0x79: {  	v16 =	vld [tilespmem:s8+$0x90]  }
0x7a: {  	v10 =	vld [tilespmem:s8+$0x8090]  }
0x7b: {  	v13 =	vld [tilespmem:s8+$0xB0];
	v5 =	vsub.f32 v4, v7  }
0x7c: {  	v11 =	vld [tilespmem:s8+$0xC0]  }
0x7d: {  	v4 =	vld [tilespmem:s8+$0x84F0];
	v9 =	vsub.f32 v8, v6;
	v17 =	vadd.f32 v5, v7  }
0x7e: {  	v8 =	vld [tilespmem:s8+$0x80B0];
	v15 =	vsub.f32 v14, v12  }
0x7f: {  	s9 =	simm.s32 $0x100;
	v14 =	vsub.f32 v16, v10;
	v6 =	vadd.f32 v9, v6;
	v7 =	vld [tilespmem:s8+$0x80C0];
	[tilespmem:s8+$0x4D0] =	vst v17  }
.LBB2_3:
0x80: {  	p0 =	sne.s32 s9, $0x7F00  }
0x81: {  	v16 =	vld [tilespmem:s8+$0xD0];
	s30 =	sadd.s32 $0x80, s30;
	s31 =	smov.u32 s9;
	s9 =	sadd.s32 $0x100, s9  }
0x82: {  	v12 =	vadd.f32 v15, v12;
	v15 =	vmul.f32 v15, v15;
	v17 =	vmul.f32 v14, v14;
	v18 =	vld [tilespmem:s8+$0x80D0]  }
0x83: {  	v10 =	vadd.f32 v14, v10;
	v13 =	vsub.f32 v13, v8;
	v14 =	vld [tilespmem:s8+$0xE0]  }
0x84: {  	v9 =	vmul.f32 v9, v9;
	[tilespmem:s8+$0x80] =	vst v12;
	v12 =	vadd.f32 v17, v15;
	v15 =	vld [tilespmem:s8+$0x80E0]  }
0x85: {  	[tilespmem:s8+$0x90] =	vst v10;
	v8 =	vadd.f32 v13, v8;
	v10 =	vsub.f32 v11, v7;
	v11 =	vld [tilespmem:s8+$0xF0]  }
0x86: {  	v9 =	vadd.f32 v9, v12;
	v12 =	vmul.f32 v13, v13;
	v13 =	vld [tilespmem:s8+$0x80F0]  }
0x87: {  	s31 =	sand.u32 $0x7800, s31;
	s3 =	sand.u32 $0x380, s30;
	[tilespmem:s8+$0xB0] =	vst v8;
	v7 =	vadd.f32 v10, v7;
	v8 =	vsub.f32 v16, v18;
	v16 =	vld [tilespmem:s8+$0x480]  }
0x88: {  	s31 =	sor.u32 s3, s31;
	v10 =	vmul.f32 v10, v10;
	v9 =	vadd.f32 v12, v9;
	v12 =	vld [tilespmem:s8+$0x8480]  }
0x89: {  	[tilespmem:s8+$0xC0] =	vst v7;
	v7 =	vadd.f32 v8, v18;
	v14 =	vsub.f32 v14, v15;
	v17 =	vld [tilespmem:s8+$0x490]  }
0x8a: {  	v8 =	vmul.f32 v8, v8;
	v9 =	vadd.f32 v10, v9;
	v10 =	vld [tilespmem:s8+$0x8490]  }
0x8b: {  	[tilespmem:s8+$0xD0] =	vst v7;
	v7 =	vadd.f32 v14, v15;
	v11 =	vsub.f32 v11, v13;
	v15 =	vld [tilespmem:s8+$0x4A0]  }
0x8c: {  	v8 =	vadd.f32 v8, v9;
	v9 =	vmul.f32 v14, v14;
	v14 =	vld [tilespmem:s8+$0x84A0]  }
0x8d: {  	[tilespmem:s8+$0xE0] =	vst v7;
	v7 =	vadd.f32 v11, v13;
	v13 =	vsub.f32 v16, v12;
	v16 =	vld [tilespmem:s8+$0x4B0]  }
0x8e: {  	v8 =	vadd.f32 v9, v8;
	v9 =	vmul.f32 v11, v11;
	v11 =	vld [tilespmem:s8+$0x84B0]  }
0x8f: {  	[tilespmem:s8+$0xF0] =	vst v7;
	v7 =	vadd.f32 v13, v12;
	v12 =	vsub.f32 v17, v10;
	v17 =	vld [tilespmem:s8+$0x84C0]  }
0x90: {  	v8 =	vadd.f32 v9, v8;
	v9 =	vmul.f32 v13, v13;
	v13 =	vld [tilespmem:s8+$0x4C0]  }
0x91: {  	[tilespmem:s8+$0x480] =	vst v7;
	v7 =	vadd.f32 v12, v10;
	v10 =	vsub.f32 v15, v14;
	v15 =	vld [tilespmem:s8+$0x4E0]  }
0x92: {  	v8 =	vadd.f32 v9, v8;
	v9 =	vmul.f32 v12, v12;
	v12 =	vld [tilespmem:s8+$0x84E0]  }
0x93: {  	[tilespmem:s8+$0x490] =	vst v7;
	v7 =	vadd.f32 v10, v14;
	v14 =	vsub.f32 v16, v11;
	v16 =	vld [tilespmem:s8+$0x4F0]  }
0x94: {  	v8 =	vadd.f32 v9, v8;
	v9 =	vmul.f32 v10, v10  }
0x95: {  	[tilespmem:s8+$0x4A0] =	vst v7;
	v7 =	vadd.f32 v14, v11;
	v10 =	vsub.f32 v13, v17  }
0x96: {  	v8 =	vadd.f32 v9, v8;
	v9 =	vmul.f32 v14, v14  }
0x97: {  	[tilespmem:s8+$0x4B0] =	vst v7;
	v7 =	vadd.f32 v10, v17;
	v11 =	vsub.f32 v15, v12  }
0x98: {  	v8 =	vadd.f32 v9, v8;
	v9 =	vmul.f32 v10, v10;
	v10 =	vsub.f32 v16, v4  }
0x99: {  	[tilespmem:s8+$0x4C0] =	vst v7;
	v7 =	vadd.f32 v11, v12  }
0x9a: {  	v5 =	vmul.f32 v5, v5;
	[tilespmem:s8+$0xA0] =	vst v6;
	v6 =	vadd.f32 v9, v8;
	v4 =	vadd.f32 v10, v4  }
0x9b: {  	[tilespmem:s8+$0x4E0] =	vst v7  }
0x9c: {  	v5 =	vadd.f32 v5, v6;
	v6 =	vmul.f32 v11, v11;
	[tilespmem:s8+$0x4F0] =	vst v4;
	s8 =	smov.u32 s31  }
0x9d: {  	v4 =	vld [tilespmem:$0x10080]  }
0x9e: {  	v5 =	vadd.f32 v6, v5;
	v6 =	vmul.f32 v10, v10;
	_ =	sdelay $0x1  }
0x9f: {  	v5 =	vadd.f32 v6, v5;
	_ =	sdelay $0x1  }
0xa0: {  	v4 =	vadd.f32 v5, v4;
	_ =	sdelay $0x1  }
0xa1: {  	[tilespmem:$0x10080] =	vst v4  }
0xa2: {  	v6 =	vld [tilespmem:s8+$0x80A0]  }
0xa3: {  	v7 =	vld [tilespmem:s8+$0x80]  }
0xa4: {  	v4 =	vld [tilespmem:s8+$0x4D0]  }
0xa5: {  	v11 =	vld [tilespmem:s8+$0x84D0]  }
0xa6: {  	v8 =	vld [tilespmem:s8+$0xA0]  }
0xa7: {  	v12 =	vld [tilespmem:s8+$0x8080]  }
0xa8: {  	v14 =	vld [tilespmem:s8+$0x90]  }
0xa9: {  	v10 =	vld [tilespmem:s8+$0x8090]  }
.Ltmp0:
0xaa: {  	v5 =	vsub.f32 v4, v11;
	v4 =	vld [tilespmem:s8+$0x84F0];
	(pc) =	sbr.rel @p0 .LBB2_3-.Ltmp0, $4  }
0xab: {  	v9 =	vsub.f32 v8, v6;
	v13 =	vld [tilespmem:s8+$0xB0]  }
0xac: {  	v8 =	vld [tilespmem:s8+$0x80B0];
	v16 =	vadd.f32 v5, v11  }
0xad: {  	v6 =	vadd.f32 v9, v6;
	v11 =	vld [tilespmem:s8+$0xC0]  }
0xae: {  	v15 =	vsub.f32 v7, v12;
	v14 =	vsub.f32 v14, v10;
	v7 =	vld [tilespmem:s8+$0x80C0];
	[tilespmem:s8+$0x4D0] =	vst v16  }
0xaf: {  	v16 =	vld [tilespmem:s8+$0xD0]  }
0xb0: {  	v18 =	vld [tilespmem:s8+$0x80D0]  }
0xb1: {  	v23 =	vld [tilespmem:s8+$0xE0]  }
0xb2: {  	v25 =	vld [tilespmem:s8+$0x80E0];
	v22 =	vmul.f32 v15, v15;
	v17 =	vmul.f32 v14, v14  }
0xb3: {  	v27 =	vld [tilespmem:s8+$0xF0]  }
0xb4: {  	v9 =	vmul.f32 v9, v9;
	v29 =	vld [tilespmem:s8+$0x80F0];
	v13 =	vsub.f32 v13, v8;
	v24 =	vadd.f32 v17, v22  }
0xb5: {  	v31 =	vld [tilespmem:s8+$0x8480];
	v10 =	vadd.f32 v14, v10  }
0xb6: {  	v32 =	vld [tilespmem:s8+$0x480];
	v26 =	vsub.f32 v11, v7;
	v28 =	vmul.f32 v13, v13;
	v9 =	vadd.f32 v9, v24  }
0xb7: {  	v34 =	vld [tilespmem:s8+$0x8490];
	v8 =	vadd.f32 v13, v8  }
0xb8: {  	v35 =	vld [tilespmem:s8+$0x490];
	[tilespmem:s8+$0x90] =	vst v10;
	v30 =	vsub.f32 v16, v18;
	v10 =	vmul.f32 v26, v26;
	v9 =	vadd.f32 v28, v9  }
0xb9: {  	v37 =	vld [tilespmem:s8+$0x84A0]  }
0xba: {  	v38 =	vld [tilespmem:s8+$0x4A0];
	v14 =	vsub.f32 v23, v25;
	[tilespmem:s8+$0xB0] =	vst v8;
	v8 =	vmul.f32 v30, v30;
	v9 =	vadd.f32 v10, v9  }
0xbb: {  	v42 =	vld [tilespmem:s8+$0x84B0]  }
0xbc: {  	v43 =	vld [tilespmem:s8+$0x4B0];
	v11 =	vsub.f32 v27, v29;
	v39 =	vmul.f32 v14, v14;
	v8 =	vadd.f32 v8, v9  }
0xbd: {  	v46 =	vld [tilespmem:s8+$0x84C0];
	v12 =	vadd.f32 v15, v12  }
0xbe: {  	v49 =	vld [tilespmem:s8+$0x4C0];
	v41 =	vsub.f32 v32, v31;
	v44 =	vmul.f32 v11, v11;
	v8 =	vadd.f32 v39, v8  }
0xbf: {  	v47 =	vsub.f32 v35, v34;
	v51 =	vsub.f32 v38, v37  }
0xc0: {  	v54 =	vld [tilespmem:s8+$0x4F0];
	[tilespmem:s8+$0xA0] =	vst v6;
	v7 =	vadd.f32 v26, v7;
	v48 =	vmul.f32 v41, v41;
	v8 =	vadd.f32 v44, v8  }
0xc1: {  	[tilespmem:s8+$0x80] =	vst v12;
	v16 =	vsub.f32 v43, v42;
	v33 =	vadd.f32 v30, v18  }
0xc2: {  	v50 =	vld [tilespmem:s8+$0x4E0];
	v36 =	vadd.f32 v14, v25;
	v52 =	vmul.f32 v47, v47;
	[tilespmem:s8+$0xC0] =	vst v7;
	v8 =	vadd.f32 v48, v8  }
0xc3: {  	v53 =	vld [tilespmem:s8+$0x84E0];
	v13 =	vsub.f32 v49, v46;
	v40 =	vadd.f32 v11, v29;
	[tilespmem:s8+$0xD0] =	vst v33  }
0xc4: {  	v45 =	vadd.f32 v41, v31;
	v55 =	vmul.f32 v51, v51;
	[tilespmem:s8+$0xE0] =	vst v36;
	v8 =	vadd.f32 v52, v8  }
0xc5: {  	v59 =	vsub.f32 v54, v4;
	v15 =	vadd.f32 v51, v37;
	[tilespmem:s8+$0xF0] =	vst v40  }
0xc6: {  	v56 =	vadd.f32 v16, v42;
	v57 =	vmul.f32 v16, v16;
	[tilespmem:s8+$0x480] =	vst v45;
	v8 =	vadd.f32 v55, v8  }
0xc7: {  	v11 =	vadd.f32 v13, v46;
	v4 =	vadd.f32 v59, v4;
	[tilespmem:s8+$0x4A0] =	vst v15  }
0xc8: {  	v58 =	vmul.f32 v13, v13;
	v7 =	vsub.f32 v50, v53;
	[tilespmem:s8+$0x4B0] =	vst v56;
	v8 =	vadd.f32 v57, v8  }
0xc9: {  	v10 =	vadd.f32 v47, v34;
	[tilespmem:s8+$0x4C0] =	vst v11  }
0xca: {  	v5 =	vmul.f32 v5, v5;
	[tilespmem:s8+$0x4F0] =	vst v4;
	v60 =	vadd.f32 v7, v53;
	v61 =	vadd.f32 v58, v8  }
0xcb: {  	[tilespmem:s8+$0x490] =	vst v10  }
0xcc: {  	v62 =	vmul.f32 v7, v7;
	[tilespmem:s8+$0x4E0] =	vst v60;
	v5 =	vadd.f32 v5, v61  }
0xcd: {  	v4 =	vld [tilespmem:$0x10080]  }
0xce: {  	v63 =	vmul.f32 v59, v59;
	v5 =	vadd.f32 v62, v5;
	_ =	sdelay $0x1  }
0xcf: {  	v5 =	vadd.f32 v63, v5;
	_ =	sdelay $0x1  }
0xd0: {  	s0 =	sadd.s32 $0x1, s0;
	v4 =	vadd.f32 v5, v4  }
0xd1: {  	p0 =	sne.s32 s0, $0x4  }
.Ltmp1:
0xd2: {  	s2 =	sadd.s32 s5, s2;
	[tilespmem:$0x10080] =	vst v4;
	(pc) =	sbr.rel @p0 .LBB2_2-.Ltmp1, $4  }
0xd3: {  	[hbm4b:s2+s6] =	stream.linear.scatter [tilespmem:s11], [sflag:$0x2], $0x8000, $0x38;
	[tilespmem:$0x10100] =	vst v63  }
0xd4: {  	_ =	swait.ge [sflag:s10], $0x8000  }
0xd5: {  	[sflag:s10] =	ssyncset.done $0x0  }
0xd6: {  	[sflag:s10] =	ssyncadd.s32 $0xFFFF8000  }
0xd7: {  	s0 =	rddreg [dreg:$0x5];
	s2 =	simm.s32 $0x10080  }
0xd8: {  	[hbm4b:s0+s6] =	stream.linear.scatter [tilespmem:s2], [sflag:$0x2], $0x80, $0x38;
	[tilespmem:$0x10100] =	vst v63  }
0xd9: {  	_ =	swait.ge [sflag:s10], $0x80  }
0xda: {  	s30 =	rddreg [dreg:$0x7]  }
0xdb: {  	s31 =	rddreg [dreg:$0x6];
	s2 =	sadd.s32 $0x1, s30  }
0xdc: {  	p0 =	sne.s32 s2, s31  }
.Ltmp2:
0xdd: {  	_ = 	snop;
	(pc) =	sbr.rel @p0 .LBB2_1-.Ltmp2, $3  }
0xde: {  	_ =	sdelay $0x1  }
0xdf: {  	[sflag:s10] =	ssyncset.done $0x0  }
0xe0: {  	[sflag:s10] =	ssyncadd.s32 $0xFFFFFF80  }
0xe1: {  	_ =	sfence.sel $0x180000  }
0xe2: {  	[bflag:$0x0] =	sbarrier.arrive $0xFFFF  }
0xe3: {  	_ =	strace $0x90000047  }
0xe4: {  	s0 =	stileid.u32;
	[bflag:$0x2] =	sbarrier.arrive $0xFFFF  }
0xe5: {  	p0 =	sne.s32 s0, $0x0;
	s0 =	rddreg [dreg:$0x4]  }
0xe6: {  	s0 =	sadd.s32 @!p0 $0x100000, s0  }
0xe7: {  	[sflag:s0] =	ssyncadd.tile.s32 @!p0 $0x1;
	_ =	shalt  }
.Lfunc_end2:
_tile_overlayer_lowered:
.L_overlay_start_2:
0xe8: {  	(tag) =	ssettag $0x2  }
0xe9: {  	s0 =	rddreg [dreg:$0x0];
	s2 =	stileid.u32  }
0xea: {  	s1 =	rddreg [dreg:$0x1];
	p0 =	sne.s32 s2, $0x0  }
0xeb: {  	s3 =	rddreg [dreg:$0x2];
	[bflag:$0x3] =	sbarrier.arrive $0xFFFF;
	s2 =	simm.s32 @!p0 $0x1C02  }
0xec: {  	[timem:s3], [sflag:s2] =	dma.local @!p0 [hbm:s0], s1  }
0xed: {  	s0 =	simm.s32 @!p0 $0x2  }
0xee: {  	_ =	swait.ge @!p0 [sflag:s0], s1  }
0xef: {  	s1 =	ssub.s32 @!p0 $0x0, s1;
	[sflag:s0] =	ssyncset.done @!p0 $0x0  }
0xf0: {  	[sflag:s0] =	ssyncadd.s32 @!p0 s1  }
0xf1: {  	[bflag:$0x3] =	sbarrier.arrive $0xFFFF  }
0xf2: {  	_ =	shalt  }

</sc_bundles>
